<compile_context>
chip_gen: v7x
topology: tpu7x:2x2x1
jax: 0.10.2.dev20260603
libtpu: 0.0.44.dev20260713+nightly
codegen_flags: <defaults>
</compile_context>

<pallas_src>
import functools

import jax
import jax.numpy as jnp
from jax import lax
from jax.experimental import pallas as pl
from jax.experimental.pallas import tpu as pltpu
from jax.experimental.pallas import tpu_sc as plsc

N_BARS = 1_000_000
N_GROUPS = 7_812
MAIN_BARS = N_GROUPS * 128
TAIL_BARS = N_BARS - MAIN_BARS
NW = 32
CHUNK0_G = 3_456
CHUNK1_G = N_GROUPS - CHUNK0_G
PART_F = 48


def _scan_body(base_g, extra_workers, with_tail, grp_hbm, tail_hbm, sign_hbm,
               out_hbm, buf, xbuf, tailbuf, sgn_v, part_v):
    wid = lax.axis_index("c") * 16 + lax.axis_index("s")
    extra_before = jnp.maximum(wid - (NW - extra_workers), 0)
    g0 = wid * base_g + extra_before

    pltpu.sync_copy(grp_hbm.at[pl.ds(g0, base_g)], buf)
    pltpu.sync_copy(sign_hbm, sgn_v)
    sign = sgn_v[...]

    neg_inf = jnp.full((16,), -jnp.inf, jnp.float32)
    zero = jnp.zeros((16,), jnp.float32)
    fmax = jnp.full((16,), jnp.finfo(jnp.float32).max, jnp.float32)

    def clean_lengths(b, d):
        ln = (d - b) * sign
        return jnp.where(jnp.abs(ln) <= fmax, ln, zero)

    def group_update(ref, g, carry):
        acc, m1, m2 = carry
        for j in range(8):
            b = ref[g, 0, pl.ds(16 * j, 16)]
            d = ref[g, 1, pl.ds(16 * j, 16)]
            ln = clean_lengths(b, d)
            acc = acc + ln
            m2 = jnp.maximum(m2, jnp.minimum(m1, ln))
            m1 = jnp.maximum(m1, ln)
        return acc, m1, m2

    carry = plsc.parallel_loop(
        0, base_g, 1, unroll=4, carry=(zero, neg_inf, neg_inf)
    )(lambda g, c: group_update(buf, g, c))

    has_extra = wid >= (NW - extra_workers)
    xg = jnp.where(has_extra, g0 + base_g, 0)
    pltpu.sync_copy(grp_hbm.at[pl.ds(xg, 1)], xbuf)
    live = jnp.full((16,), wid, jnp.int32) >= (NW - extra_workers)
    acc, m1, m2 = carry
    for j in range(8):
        b = xbuf[0, 0, pl.ds(16 * j, 16)]
        d = xbuf[0, 1, pl.ds(16 * j, 16)]
        ln = clean_lengths(b, d)
        acc = acc + jnp.where(live, ln, zero)
        lnm = jnp.where(live, ln, neg_inf)
        m2 = jnp.maximum(m2, jnp.minimum(m1, lnm))
        m1 = jnp.maximum(m1, lnm)

    if with_tail:
        pltpu.sync_copy(tail_hbm, tailbuf)
        live0 = jnp.full((16,), wid, jnp.int32) == 0
        iota = lax.iota(jnp.int32, 16)
        for j in range(4):
            idx = 32 * j + 2 * iota
            b = plsc.load_gather(tailbuf, [idx])
            d = plsc.load_gather(tailbuf, [idx + 1])
            ln = clean_lengths(b, d)
            acc = acc + jnp.where(live0, ln, zero)
            lnm = jnp.where(live0, ln, neg_inf)
            m2 = jnp.maximum(m2, jnp.minimum(m1, lnm))
            m1 = jnp.maximum(m1, lnm)

    part_v[pl.ds(0, 16)] = acc
    part_v[pl.ds(16, 16)] = m1
    part_v[pl.ds(32, 16)] = m2
    pltpu.sync_copy(part_v, out_hbm.at[pl.ds(wid * PART_F, PART_F)])


def _tc_combine_body(xa_ref, xb_ref, skip_ref, out_ref):
    x = jnp.concatenate([xa_ref[...], xb_ref[...]], axis=0)
    rows = lax.broadcasted_iota(jnp.int32, x.shape, 0)
    cols = lax.broadcasted_iota(jnp.int32, x.shape, 1)
    slot = (rows * 128 + cols) % PART_F
    is_sum = slot < 16
    total = jnp.sum(jnp.where(is_sum, x, 0.0))
    candm = jnp.where(is_sum, -jnp.inf, x)

    m1 = jnp.full((1, 128), -jnp.inf, jnp.float32)
    m2 = m1
    for r in range(candm.shape[0]):
        v = candm[r:r + 1, :]
        m2 = jnp.maximum(m2, jnp.minimum(m1, v))
        m1 = jnp.maximum(m1, v)
    cand = jnp.concatenate([m1, m2], axis=0)

    kf = skip_ref[0].astype(jnp.float32)

    def step(_, carry):
        kf, ts, cand = carry
        m = jnp.max(cand)
        eq = cand == m
        c = jnp.sum(eq.astype(jnp.float32))
        take = jnp.minimum(c, kf)
        contrib = jnp.where((take > 0) & (m > -jnp.inf), take * m, 0.0)
        return kf - take, ts + contrib, jnp.where(eq, -jnp.inf, cand)

    _, top_sum, _ = lax.fori_loop(0, 16, step, (kf, 0.0, cand))
    out_ref[0, 0] = total - top_sum


def _make_scan(chunk_g, with_tail):
    base_g = chunk_g // NW
    extra_workers = chunk_g - NW * base_g
    mesh = plsc.VectorSubcoreMesh(core_axis_name="c", subcore_axis_name="s")
    return pl.kernel(
        functools.partial(_scan_body, base_g, extra_workers, with_tail),
        out_type=jax.ShapeDtypeStruct((NW * PART_F,), jnp.float32),
        mesh=mesh,
        scratch_types=[
            pltpu.VMEM((base_g, 2, 128), jnp.float32),
            pltpu.VMEM((1, 2, 128), jnp.float32),
            pltpu.VMEM((2 * TAIL_BARS,), jnp.float32),
            pltpu.VMEM((16,), jnp.float32),
            pltpu.VMEM((PART_F,), jnp.float32),
        ],
        compiler_params=pltpu.CompilerParams(
            needs_layout_passes=False,
            allow_input_fusion=[True, False, False],
        ),
    )


def _grouped_view(intervals, lo_g, n_g):
    part = lax.optimization_barrier(intervals[lo_g * 128:(lo_g + n_g) * 128])
    return part.reshape(n_g, 128, 2).transpose(0, 2, 1)


def kernel(intervals, issublevel, skip):
    tail = intervals[MAIN_BARS:].reshape(2 * TAIL_BARS)
    sign = jnp.where(issublevel, jnp.float32(1.0), jnp.float32(-1.0))
    sign16 = jnp.broadcast_to(sign, (16,)).astype(jnp.float32)

    scan0 = _make_scan(CHUNK0_G, False)
    scan1 = _make_scan(CHUNK1_G, True)
    parts0 = scan0(_grouped_view(intervals, 0, CHUNK0_G), tail, sign16)
    parts1 = scan1(_grouped_view(intervals, CHUNK0_G, CHUNK1_G), tail, sign16)

    combine = pl.pallas_call(
        _tc_combine_body,
        out_shape=jax.ShapeDtypeStruct((1, 1), jnp.float32),
        in_specs=[
            pl.BlockSpec(memory_space=pltpu.VMEM),
            pl.BlockSpec(memory_space=pltpu.VMEM),
            pl.BlockSpec(memory_space=pltpu.SMEM),
        ],
        out_specs=pl.BlockSpec(memory_space=pltpu.SMEM),
    )
    skip_arr = jnp.asarray(skip, jnp.int32).reshape(1)
    out = combine(parts0.reshape(12, 128), parts1.reshape(12, 128), skip_arr)
    return out.reshape(())

# --- scband reference (transcript-rebuilt; emitter-appended) ---
"""Pipeline reference for scband-partial-sum-barcode-lengths-flexible-skip-25486335934730 (READ-ONLY COPY).

The authoritative reference and input builder live on the scoring server;
editing this copy changes nothing except your own understanding.
"""

import jax, jax.numpy as jnp
import numpy as np

DIM = 0
POWER = 1
N = 1000000
SKIP = 16


def get_barcode_lengths(dgm, issublevel):
    # lengths = death - birth for sublevel filtrations, birth - death otherwise
    lengths = jnp.where(issublevel, dgm[:, 1] - dgm[:, 0], dgm[:, 0] - dgm[:, 1])
    # zero out infinite and NaN bars, as in topologylayer.get_barcode_lengths
    lengths = jnp.where(jnp.isinf(lengths), 0.0, lengths)
    lengths = jnp.where(jnp.isnan(lengths), 0.0, lengths)
    return lengths


def setup_inputs(seed: int = 0) -> dict:
    key = jax.random.key(seed)
    k1, k2 = jax.random.split(key)
    births = jax.random.uniform(k1, (N,), dtype=jnp.float32)
    deaths = births + jax.random.uniform(k2, (N,), dtype=jnp.float32)
    # intervals for homology dimension DIM: [N, 2] (birth, death)
    intervals = jnp.stack([births, deaths], axis=1)
    issublevel = jnp.array(True)
    return {"intervals": intervals, "issublevel": issublevel, "skip": SKIP}


def reference(intervals, issublevel, skip):
    lengths = get_barcode_lengths(intervals, issublevel)
    # torch.sort(lengths, descending=True)
    sortl = jnp.sort(lengths)[::-1]
    # sum of powered lengths, skipping the `skip` longest bars
    n = intervals.shape[0]
    powered = jnp.power(sortl, POWER)
    keep = jnp.arange(n) >= skip
    return jnp.sum(jnp.where(keep, powered, jnp.zeros_like(powered)))

if __name__ == "__main__":
    import jax
    _d = setup_inputs()
    print(jax.jit(kernel)(*tuple(_d.values())))

</pallas_src>

<mosaic_0001>
#map = affine_map<(d0, d1) -> (0, 0, 0)>
#map1 = affine_map<(d0, d1) -> (0)>
module attributes {stable_mosaic.version = 14 : i64} {
  func.func @_scan_body(%arg0: i32, %arg1: i32, %arg2: memref<3456x2x128xf32, #tpu.memory_space<hbm>>, %arg3: memref<128xf32, #tpu.memory_space<hbm>>, %arg4: memref<16xf32, #tpu.memory_space<hbm>>, %arg5: memref<1536xf32, #tpu.memory_space<hbm>>, %arg6: memref<108x2x128xf32, #tpu.memory_space<vmem>>, %arg7: memref<1x2x128xf32, #tpu.memory_space<vmem>>, %arg8: memref<128xf32, #tpu.memory_space<vmem>>, %arg9: memref<16xf32, #tpu.memory_space<vmem>>, %arg10: memref<48xf32, #tpu.memory_space<vmem>>) attributes {dimension_semantics = [#tpu.dimension_semantics<core_parallel>, #tpu.dimension_semantics<subcore_parallel>], iteration_bounds = array<i64: 2, 16>, scalar_prefetch = 0 : i64, scratch_operands = 5 : i64, tpu.core_type = #tpu.core_type<sc_vector_subcore>, window_params = [{transform_indices = #map}, {transform_indices = #map1}, {transform_indices = #map1}, {transform_indices = #map1}]} {
    %mul3A = arith.constant 16 : i32
    %mul3A_0 = arith.muli %arg0, %mul3A : i32
    %add3A = arith.addi %mul3A_0, %arg1 : i32
    %sub3A = arith.constant 32 : i32
    %sub3A_1 = arith.subi %add3A, %sub3A : i32
    %max3A = arith.constant 0 : i32
    %max3A_2 = arith.maxsi %sub3A_1, %max3A : i32
    %mul3A_3 = arith.constant 108 : i32
    %mul3A_4 = arith.muli %add3A, %mul3A_3 : i32
    %add3A_5 = arith.addi %mul3A_4, %max3A_2 : i32
    "tpu.region"() ({
      %run_scoped3A = tpu.sem_alloc : memref<!tpu.dma_semaphore, #tpu.memory_space<semaphore_mem>>
      %dma_start3A = arith.constant 0 : i32
      %dma_start3A_210 = arith.constant 0 : i32
      %dma_start3A_211 = tpu.memref_slice %arg2[%add3A_5, %dma_start3A, %dma_start3A_210] : memref<3456x2x128xf32, #tpu.memory_space<hbm>> -> memref<108x2x128xf32, #tpu.memory_space<hbm>>
      %dma_start3A_212 = arith.constant 0 : i32
      %dma_start3A_213 = arith.constant 0 : i32
      %dma_start3A_214 = tpu.memref_slice %arg2[%add3A_5, %dma_start3A_212, %dma_start3A_213] : memref<3456x2x128xf32, #tpu.memory_space<hbm>> -> memref<108x2x128xf32, #tpu.memory_space<hbm>>
      tpu.enqueue_dma source(%dma_start3A_214 : memref<108x2x128xf32, #tpu.memory_space<hbm>>) target(%arg6 : memref<108x2x128xf32, #tpu.memory_space<vmem>>) target_semaphore(%run_scoped3A : memref<!tpu.dma_semaphore, #tpu.memory_space<semaphore_mem>>)
      %dma_wait3A = arith.constant 0 : i32
      %dma_wait3A_215 = arith.constant 0 : i32
      %dma_wait3A_216 = tpu.memref_slice %arg2[%add3A_5, %dma_wait3A, %dma_wait3A_215] : memref<3456x2x128xf32, #tpu.memory_space<hbm>> -> memref<108x2x128xf32, #tpu.memory_space<hbm>>
      %dma_wait3A_217 = arith.constant 0 : i32
      %dma_wait3A_218 = arith.constant 0 : i32
      %dma_wait3A_219 = tpu.memref_slice %arg2[%add3A_5, %dma_wait3A_217, %dma_wait3A_218] : memref<3456x2x128xf32, #tpu.memory_space<hbm>> -> memref<108x2x128xf32, #tpu.memory_space<hbm>>
      tpu.wait_dma2 semaphore(%run_scoped3A : memref<!tpu.dma_semaphore, #tpu.memory_space<semaphore_mem>>) src(%dma_wait3A_219 : memref<108x2x128xf32, #tpu.memory_space<hbm>>) dst(%arg6 : memref<108x2x128xf32, #tpu.memory_space<vmem>>)
      tpu.yield
    }) : () -> ()
    "tpu.region"() ({
      %run_scoped3A = tpu.sem_alloc : memref<!tpu.dma_semaphore, #tpu.memory_space<semaphore_mem>>
      tpu.enqueue_dma source(%arg4 : memref<16xf32, #tpu.memory_space<hbm>>) target(%arg9 : memref<16xf32, #tpu.memory_space<vmem>>) target_semaphore(%run_scoped3A : memref<!tpu.dma_semaphore, #tpu.memory_space<semaphore_mem>>)
      tpu.wait_dma2 semaphore(%run_scoped3A : memref<!tpu.dma_semaphore, #tpu.memory_space<semaphore_mem>>) src(%arg4 : memref<16xf32, #tpu.memory_space<hbm>>) dst(%arg9 : memref<16xf32, #tpu.memory_space<vmem>>)
      tpu.yield
    }) : () -> ()
    %get3A = arith.constant 0 : index
    %get3A_6 = tpu.vector_load %arg9[%get3A] {strides = array<i32>} : memref<16xf32, #tpu.memory_space<vmem>>, vector<16xf32>,
    %broadcast_in_dim3A = arith.constant 0xFF800000 : f32
    %broadcast_in_dim3A_7 = vector.broadcast %broadcast_in_dim3A : f32 to vector<16xf32>
    %broadcast_in_dim3A_8 = arith.constant 0.000000e+00 : f32
    %broadcast_in_dim3A_9 = vector.broadcast %broadcast_in_dim3A_8 : f32 to vector<16xf32>
    %broadcast_in_dim3A_10 = arith.constant 3.40282347E+38 : f32
    %broadcast_in_dim3A_11 = vector.broadcast %broadcast_in_dim3A_10 : f32 to vector<16xf32>
    %parallel_loop3A = arith.constant 0 : i32
    %parallel_loop3A_12 = arith.constant 108 : i32
    %parallel_loop3A_13 = arith.constant 1 : i32
    %parallel_loop3A_14:3 = scf.for %parallel_loop3A_210 = %parallel_loop3A to %parallel_loop3A_12 step %parallel_loop3A_13 iter_args(%parallel_loop3A_211 = %broadcast_in_dim3A_9, %parallel_loop3A_212 = %broadcast_in_dim3A_7, %parallel_loop3A_213 = %broadcast_in_dim3A_7) -> (vector<16xf32>, vector<16xf32>, vector<16xf32>)  : i32 {
      %parallel_loop3A_214 = arith.constant 0 : i32
      %parallel_loop3A_215 = arith.index_cast %parallel_loop3A_210 : i32 to index
      %parallel_loop3A_216 = arith.index_cast %parallel_loop3A_214 : i32 to index
      %parallel_loop3A_217 = arith.constant 0 : index
      %parallel_loop3A_218 = tpu.vector_load %arg6[%parallel_loop3A_215, %parallel_loop3A_216, %parallel_loop3A_217] {strides = array<i32>} : memref<108x2x128xf32, #tpu.memory_space<vmem>>, vector<16xf32>,
      %parallel_loop3A_219 = arith.constant 1 : i32
      %parallel_loop3A_220 = arith.index_cast %parallel_loop3A_210 : i32 to index
      %parallel_loop3A_221 = arith.index_cast %parallel_loop3A_219 : i32 to index
      %parallel_loop3A_222 = arith.constant 0 : index
      %parallel_loop3A_223 = tpu.vector_load %arg6[%parallel_loop3A_220, %parallel_loop3A_221, %parallel_loop3A_222] {strides = array<i32>} : memref<108x2x128xf32, #tpu.memory_space<vmem>>, vector<16xf32>,
      %parallel_loop3A_224 = arith.subf %parallel_loop3A_223, %parallel_loop3A_218 : vector<16xf32>
      %parallel_loop3A_225 = arith.mulf %parallel_loop3A_224, %get3A_6 : vector<16xf32>
      %parallel_loop3A_226 = math.absf %parallel_loop3A_225 : vector<16xf32>
      %parallel_loop3A_227 = arith.cmpf ole, %parallel_loop3A_226, %broadcast_in_dim3A_11 : vector<16xf32>
      %parallel_loop3A_228 = arith.select %parallel_loop3A_227, %parallel_loop3A_225, %broadcast_in_dim3A_9 : vector<16xi1>, vector<16xf32>
      %parallel_loop3A_229 = arith.addf %parallel_loop3A_211, %parallel_loop3A_228 : vector<16xf32>
      %parallel_loop3A_230 = arith.minimumf %parallel_loop3A_212, %parallel_loop3A_228 : vector<16xf32>
      %parallel_loop3A_231 = arith.maximumf %parallel_loop3A_213, %parallel_loop3A_230 : vector<16xf32>
      %parallel_loop3A_232 = arith.maximumf %parallel_loop3A_212, %parallel_loop3A_228 : vector<16xf32>
      %parallel_loop3A_233 = arith.constant 0 : i32
      %parallel_loop3A_234 = arith.index_cast %parallel_loop3A_210 : i32 to index
      %parallel_loop3A_235 = arith.index_cast %parallel_loop3A_233 : i32 to index
      %parallel_loop3A_236 = arith.constant 16 : index
      %parallel_loop3A_237 = tpu.vector_load %arg6[%parallel_loop3A_234, %parallel_loop3A_235, %parallel_loop3A_236] {strides = array<i32>} : memref<108x2x128xf32, #tpu.memory_space<vmem>>, vector<16xf32>,
      %parallel_loop3A_238 = arith.constant 1 : i32
      %parallel_loop3A_239 = arith.index_cast %parallel_loop3A_210 : i32 to index
      %parallel_loop3A_240 = arith.index_cast %parallel_loop3A_238 : i32 to index
      %parallel_loop3A_241 = arith.constant 16 : index
      %parallel_loop3A_242 = tpu.vector_load %arg6[%parallel_loop3A_239, %parallel_loop3A_240, %parallel_loop3A_241] {strides = array<i32>} : memref<108x2x128xf32, #tpu.memory_space<vmem>>, vector<16xf32>,
      %parallel_loop3A_243 = arith.subf %parallel_loop3A_242, %parallel_loop3A_237 : vector<16xf32>
      %parallel_loop3A_244 = arith.mulf %parallel_loop3A_243, %get3A_6 : vector<16xf32>
      %parallel_loop3A_245 = math.absf %parallel_loop3A_244 : vector<16xf32>
      %parallel_loop3A_246 = arith.cmpf ole, %parallel_loop3A_245, %broadcast_in_dim3A_11 : vector<16xf32>
      %parallel_loop3A_247 = arith.select %parallel_loop3A_246, %parallel_loop3A_244, %broadcast_in_dim3A_9 : vector<16xi1>, vector<16xf32>
      %parallel_loop3A_248 = arith.addf %parallel_loop3A_229, %parallel_loop3A_247 : vector<16xf32>
      %parallel_loop3A_249 = arith.minimumf %parallel_loop3A_232, %parallel_loop3A_247 : vector<16xf32>
      %parallel_loop3A_250 = arith.maximumf %parallel_loop3A_231, %parallel_loop3A_249 : vector<16xf32>
      %parallel_loop3A_251 = arith.maximumf %parallel_loop3A_232, %parallel_loop3A_247 : vector<16xf32>
      %parallel_loop3A_252 = arith.constant 0 : i32
      %parallel_loop3A_253 = arith.index_cast %parallel_loop3A_210 : i32 to index
      %parallel_loop3A_254 = arith.index_cast %parallel_loop3A_252 : i32 to index
      %parallel_loop3A_255 = arith.constant 32 : index
      %parallel_loop3A_256 = tpu.vector_load %arg6[%parallel_loop3A_253, %parallel_loop3A_254, %parallel_loop3A_255] {strides = array<i32>} : memref<108x2x128xf32, #tpu.memory_space<vmem>>, vector<16xf32>,
      %parallel_loop3A_257 = arith.constant 1 : i32
      %parallel_loop3A_258 = arith.index_cast %parallel_loop3A_210 : i32 to index
      %parallel_loop3A_259 = arith.index_cast %parallel_loop3A_257 : i32 to index
      %parallel_loop3A_260 = arith.constant 32 : index
      %parallel_loop3A_261 = tpu.vector_load %arg6[%parallel_loop3A_258, %parallel_loop3A_259, %parallel_loop3A_260] {strides = array<i32>} : memref<108x2x128xf32, #tpu.memory_space<vmem>>, vector<16xf32>,
      %parallel_loop3A_262 = arith.subf %parallel_loop3A_261, %parallel_loop3A_256 : vector<16xf32>
      %parallel_loop3A_263 = arith.mulf %parallel_loop3A_262, %get3A_6 : vector<16xf32>
      %parallel_loop3A_264 = math.absf %parallel_loop3A_263 : vector<16xf32>
      %parallel_loop3A_265 = arith.cmpf ole, %parallel_loop3A_264, %broadcast_in_dim3A_11 : vector<16xf32>
      %parallel_loop3A_266 = arith.select %parallel_loop3A_265, %parallel_loop3A_263, %broadcast_in_dim3A_9 : vector<16xi1>, vector<16xf32>
      %parallel_loop3A_267 = arith.addf %parallel_loop3A_248, %parallel_loop3A_266 : vector<16xf32>
      %parallel_loop3A_268 = arith.minimumf %parallel_loop3A_251, %parallel_loop3A_266 : vector<16xf32>
      %parallel_loop3A_269 = arith.maximumf %parallel_loop3A_250, %parallel_loop3A_268 : vector<16xf32>
      %parallel_loop3A_270 = arith.maximumf %parallel_loop3A_251, %parallel_loop3A_266 : vector<16xf32>
      %parallel_loop3A_271 = arith.constant 0 : i32
      %parallel_loop3A_272 = arith.index_cast %parallel_loop3A_210 : i32 to index
      %parallel_loop3A_273 = arith.index_cast %parallel_loop3A_271 : i32 to index
      %parallel_loop3A_274 = arith.constant 48 : index
      %parallel_loop3A_275 = tpu.vector_load %arg6[%parallel_loop3A_272, %parallel_loop3A_273, %parallel_loop3A_274] {strides = array<i32>} : memref<108x2x128xf32, #tpu.memory_space<vmem>>, vector<16xf32>,
      %parallel_loop3A_276 = arith.constant 1 : i32
      %parallel_loop3A_277 = arith.index_cast %parallel_loop3A_210 : i32 to index
      %parallel_loop3A_278 = arith.index_cast %parallel_loop3A_276 : i32 to index
      %parallel_loop3A_279 = arith.constant 48 : index
      %parallel_loop3A_280 = tpu.vector_load %arg6[%parallel_loop3A_277, %parallel_loop3A_278, %parallel_loop3A_279] {strides = array<i32>} : memref<108x2x128xf32, #tpu.memory_space<vmem>>, vector<16xf32>,
      %parallel_loop3A_281 = arith.subf %parallel_loop3A_280, %parallel_loop3A_275 : vector<16xf32>
      %parallel_loop3A_282 = arith.mulf %parallel_loop3A_281, %get3A_6 : vector<16xf32>
      %parallel_loop3A_283 = math.absf %parallel_loop3A_282 : vector<16xf32>
      %parallel_loop3A_284 = arith.cmpf ole, %parallel_loop3A_283, %broadcast_in_dim3A_11 : vector<16xf32>
      %parallel_loop3A_285 = arith.select %parallel_loop3A_284, %parallel_loop3A_282, %broadcast_in_dim3A_9 : vector<16xi1>, vector<16xf32>
      %parallel_loop3A_286 = arith.addf %parallel_loop3A_267, %parallel_loop3A_285 : vector<16xf32>
      %parallel_loop3A_287 = arith.minimumf %parallel_loop3A_270, %parallel_loop3A_285 : vector<16xf32>
      %parallel_loop3A_288 = arith.maximumf %parallel_loop3A_269, %parallel_loop3A_287 : vector<16xf32>
      %parallel_loop3A_289 = arith.maximumf %parallel_loop3A_270, %parallel_loop3A_285 : vector<16xf32>
      %parallel_loop3A_290 = arith.constant 0 : i32
      %parallel_loop3A_291 = arith.index_cast %parallel_loop3A_210 : i32 to index
      %parallel_loop3A_292 = arith.index_cast %parallel_loop3A_290 : i32 to index
      %parallel_loop3A_293 = arith.constant 64 : index
      %parallel_loop3A_294 = tpu.vector_load %arg6[%parallel_loop3A_291, %parallel_loop3A_292, %parallel_loop3A_293] {strides = array<i32>} : memref<108x2x128xf32, #tpu.memory_space<vmem>>, vector<16xf32>,
      %parallel_loop3A_295 = arith.constant 1 : i32
      %parallel_loop3A_296 = arith.index_cast %parallel_loop3A_210 : i32 to index
      %parallel_loop3A_297 = arith.index_cast %parallel_loop3A_295 : i32 to index
      %parallel_loop3A_298 = arith.constant 64 : index
      %parallel_loop3A_299 = tpu.vector_load %arg6[%parallel_loop3A_296, %parallel_loop3A_297, %parallel_loop3A_298] {strides = array<i32>} : memref<108x2x128xf32, #tpu.memory_space<vmem>>, vector<16xf32>,
      %parallel_loop3A_300 = arith.subf %parallel_loop3A_299, %parallel_loop3A_294 : vector<16xf32>
      %parallel_loop3A_301 = arith.mulf %parallel_loop3A_300, %get3A_6 : vector<16xf32>
      %parallel_loop3A_302 = math.absf %parallel_loop3A_301 : vector<16xf32>
      %parallel_loop3A_303 = arith.cmpf ole, %parallel_loop3A_302, %broadcast_in_dim3A_11 : vector<16xf32>
      %parallel_loop3A_304 = arith.select %parallel_loop3A_303, %parallel_loop3A_301, %broadcast_in_dim3A_9 : vector<16xi1>, vector<16xf32>
      %parallel_loop3A_305 = arith.addf %parallel_loop3A_286, %parallel_loop3A_304 : vector<16xf32>
      %parallel_loop3A_306 = arith.minimumf %parallel_loop3A_289, %parallel_loop3A_304 : vector<16xf32>
      %parallel_loop3A_307 = arith.maximumf %parallel_loop3A_288, %parallel_loop3A_306 : vector<16xf32>
      %parallel_loop3A_308 = arith.maximumf %parallel_loop3A_289, %parallel_loop3A_304 : vector<16xf32>
      %parallel_loop3A_309 = arith.constant 0 : i32
      %parallel_loop3A_310 = arith.index_cast %parallel_loop3A_210 : i32 to index
      %parallel_loop3A_311 = arith.index_cast %parallel_loop3A_309 : i32 to index
      %parallel_loop3A_312 = arith.constant 80 : index
      %parallel_loop3A_313 = tpu.vector_load %arg6[%parallel_loop3A_310, %parallel_loop3A_311, %parallel_loop3A_312] {strides = array<i32>} : memref<108x2x128xf32, #tpu.memory_space<vmem>>, vector<16xf32>,
      %parallel_loop3A_314 = arith.constant 1 : i32
      %parallel_loop3A_315 = arith.index_cast %parallel_loop3A_210 : i32 to index
      %parallel_loop3A_316 = arith.index_cast %parallel_loop3A_314 : i32 to index
      %parallel_loop3A_317 = arith.constant 80 : index
      %parallel_loop3A_318 = tpu.vector_load %arg6[%parallel_loop3A_315, %parallel_loop3A_316, %parallel_loop3A_317] {strides = array<i32>} : memref<108x2x128xf32, #tpu.memory_space<vmem>>, vector<16xf32>,
      %parallel_loop3A_319 = arith.subf %parallel_loop3A_318, %parallel_loop3A_313 : vector<16xf32>
      %parallel_loop3A_320 = arith.mulf %parallel_loop3A_319, %get3A_6 : vector<16xf32>
      %parallel_loop3A_321 = math.absf %parallel_loop3A_320 : vector<16xf32>
      %parallel_loop3A_322 = arith.cmpf ole, %parallel_loop3A_321, %broadcast_in_dim3A_11 : vector<16xf32>
      %parallel_loop3A_323 = arith.select %parallel_loop3A_322, %parallel_loop3A_320, %broadcast_in_dim3A_9 : vector<16xi1>, vector<16xf32>
      %parallel_loop3A_324 = arith.addf %parallel_loop3A_305, %parallel_loop3A_323 : vector<16xf32>
      %parallel_loop3A_325 = arith.minimumf %parallel_loop3A_308, %parallel_loop3A_323 : vector<16xf32>
      %parallel_loop3A_326 = arith.maximumf %parallel_loop3A_307, %parallel_loop3A_325 : vector<16xf32>
      %parallel_loop3A_327 = arith.maximumf %parallel_loop3A_308, %parallel_loop3A_323 : vector<16xf32>
      %parallel_loop3A_328 = arith.constant 0 : i32
      %parallel_loop3A_329 = arith.index_cast %parallel_loop3A_210 : i32 to index
      %parallel_loop3A_330 = arith.index_cast %parallel_loop3A_328 : i32 to index
      %parallel_loop3A_331 = arith.constant 96 : index
      %parallel_loop3A_332 = tpu.vector_load %arg6[%parallel_loop3A_329, %parallel_loop3A_330, %parallel_loop3A_331] {strides = array<i32>} : memref<108x2x128xf32, #tpu.memory_space<vmem>>, vector<16xf32>,
      %parallel_loop3A_333 = arith.constant 1 : i32
      %parallel_loop3A_334 = arith.index_cast %parallel_loop3A_210 : i32 to index
      %parallel_loop3A_335 = arith.index_cast %parallel_loop3A_333 : i32 to index
      %parallel_loop3A_336 = arith.constant 96 : index
      %parallel_loop3A_337 = tpu.vector_load %arg6[%parallel_loop3A_334, %parallel_loop3A_335, %parallel_loop3A_336] {strides = array<i32>} : memref<108x2x128xf32, #tpu.memory_space<vmem>>, vector<16xf32>,
      %parallel_loop3A_338 = arith.subf %parallel_loop3A_337, %parallel_loop3A_332 : vector<16xf32>
      %parallel_loop3A_339 = arith.mulf %parallel_loop3A_338, %get3A_6 : vector<16xf32>
      %parallel_loop3A_340 = math.absf %parallel_loop3A_339 : vector<16xf32>
      %parallel_loop3A_341 = arith.cmpf ole, %parallel_loop3A_340, %broadcast_in_dim3A_11 : vector<16xf32>
      %parallel_loop3A_342 = arith.select %parallel_loop3A_341, %parallel_loop3A_339, %broadcast_in_dim3A_9 : vector<16xi1>, vector<16xf32>
      %parallel_loop3A_343 = arith.addf %parallel_loop3A_324, %parallel_loop3A_342 : vector<16xf32>
      %parallel_loop3A_344 = arith.minimumf %parallel_loop3A_327, %parallel_loop3A_342 : vector<16xf32>
      %parallel_loop3A_345 = arith.maximumf %parallel_loop3A_326, %parallel_loop3A_344 : vector<16xf32>
      %parallel_loop3A_346 = arith.maximumf %parallel_loop3A_327, %parallel_loop3A_342 : vector<16xf32>
      %parallel_loop3A_347 = arith.constant 0 : i32
      %parallel_loop3A_348 = arith.index_cast %parallel_loop3A_210 : i32 to index
      %parallel_loop3A_349 = arith.index_cast %parallel_loop3A_347 : i32 to index
      %parallel_loop3A_350 = arith.constant 112 : index
      %parallel_loop3A_351 = tpu.vector_load %arg6[%parallel_loop3A_348, %parallel_loop3A_349, %parallel_loop3A_350] {strides = array<i32>} : memref<108x2x128xf32, #tpu.memory_space<vmem>>, vector<16xf32>,
      %parallel_loop3A_352 = arith.constant 1 : i32
      %parallel_loop3A_353 = arith.index_cast %parallel_loop3A_210 : i32 to index
      %parallel_loop3A_354 = arith.index_cast %parallel_loop3A_352 : i32 to index
      %parallel_loop3A_355 = arith.constant 112 : index
      %parallel_loop3A_356 = tpu.vector_load %arg6[%parallel_loop3A_353, %parallel_loop3A_354, %parallel_loop3A_355] {strides = array<i32>} : memref<108x2x128xf32, #tpu.memory_space<vmem>>, vector<16xf32>,
      %parallel_loop3A_357 = arith.subf %parallel_loop3A_356, %parallel_loop3A_351 : vector<16xf32>
      %parallel_loop3A_358 = arith.mulf %parallel_loop3A_357, %get3A_6 : vector<16xf32>
      %parallel_loop3A_359 = math.absf %parallel_loop3A_358 : vector<16xf32>
      %parallel_loop3A_360 = arith.cmpf ole, %parallel_loop3A_359, %broadcast_in_dim3A_11 : vector<16xf32>
      %parallel_loop3A_361 = arith.select %parallel_loop3A_360, %parallel_loop3A_358, %broadcast_in_dim3A_9 : vector<16xi1>, vector<16xf32>
      %parallel_loop3A_362 = arith.addf %parallel_loop3A_343, %parallel_loop3A_361 : vector<16xf32>
      %parallel_loop3A_363 = arith.minimumf %parallel_loop3A_346, %parallel_loop3A_361 : vector<16xf32>
      %parallel_loop3A_364 = arith.maximumf %parallel_loop3A_345, %parallel_loop3A_363 : vector<16xf32>
      %parallel_loop3A_365 = arith.maximumf %parallel_loop3A_346, %parallel_loop3A_361 : vector<16xf32>
      scf.yield %parallel_loop3A_362, %parallel_loop3A_365, %parallel_loop3A_364 : vector<16xf32>, vector<16xf32>, vector<16xf32>
    } {sc.loop_unroll_factor = 4 : i64, sc.parallel_access}
    %ge3A = arith.constant 32 : i32
    %ge3A_15 = arith.cmpi sge, %add3A, %ge3A : i32
    %add3A_16 = arith.constant 108 : i32
    %add3A_17 = arith.addi %add3A_5, %add3A_16 : i32
    %jit3A = arith.constant 0 : i32
    %select_n3A = arith.select %ge3A_15, %add3A_17, %jit3A : i32
    "tpu.region"() ({
      %run_scoped3A = tpu.sem_alloc : memref<!tpu.dma_semaphore, #tpu.memory_space<semaphore_mem>>
      %dma_start3A = arith.constant 0 : i32
      %dma_start3A_210 = arith.constant 0 : i32
      %dma_start3A_211 = tpu.memref_slice %arg2[%select_n3A, %dma_start3A, %dma_start3A_210] : memref<3456x2x128xf32, #tpu.memory_space<hbm>> -> memref<1x2x128xf32, #tpu.memory_space<hbm>>
      %dma_start3A_212 = arith.constant 0 : i32
      %dma_start3A_213 = arith.constant 0 : i32
      %dma_start3A_214 = tpu.memref_slice %arg2[%select_n3A, %dma_start3A_212, %dma_start3A_213] : memref<3456x2x128xf32, #tpu.memory_space<hbm>> -> memref<1x2x128xf32, #tpu.memory_space<hbm>>
      tpu.enqueue_dma source(%dma_start3A_214 : memref<1x2x128xf32, #tpu.memory_space<hbm>>) target(%arg7 : memref<1x2x128xf32, #tpu.memory_space<vmem>>) target_semaphore(%run_scoped3A : memref<!tpu.dma_semaphore, #tpu.memory_space<semaphore_mem>>)
      %dma_wait3A = arith.constant 0 : i32
      %dma_wait3A_215 = arith.constant 0 : i32
      %dma_wait3A_216 = tpu.memref_slice %arg2[%select_n3A, %dma_wait3A, %dma_wait3A_215] : memref<3456x2x128xf32, #tpu.memory_space<hbm>> -> memref<1x2x128xf32, #tpu.memory_space<hbm>>
      %dma_wait3A_217 = arith.constant 0 : i32
      %dma_wait3A_218 = arith.constant 0 : i32
      %dma_wait3A_219 = tpu.memref_slice %arg2[%select_n3A, %dma_wait3A_217, %dma_wait3A_218] : memref<3456x2x128xf32, #tpu.memory_space<hbm>> -> memref<1x2x128xf32, #tpu.memory_space<hbm>>
      tpu.wait_dma2 semaphore(%run_scoped3A : memref<!tpu.dma_semaphore, #tpu.memory_space<semaphore_mem>>) src(%dma_wait3A_219 : memref<1x2x128xf32, #tpu.memory_space<hbm>>) dst(%arg7 : memref<1x2x128xf32, #tpu.memory_space<vmem>>)
      tpu.yield
    }) : () -> ()
    %broadcast_in_dim3A_18 = vector.broadcast %add3A : i32 to vector<16xi32>
    %ge3A_19 = arith.constant 32 : i32
    %ge3A_20 = vector.broadcast %ge3A_19 : i32 to vector<16xi32>
    %ge3A_21 = arith.cmpi sge, %broadcast_in_dim3A_18, %ge3A_20 : vector<16xi32>
    %get3A_22 = arith.constant 0 : i32
    %get3A_23 = arith.constant 0 : i32
    %get3A_24 = arith.index_cast %get3A_22 : i32 to index
    %get3A_25 = arith.index_cast %get3A_23 : i32 to index
    %get3A_26 = arith.constant 0 : index
    %get3A_27 = tpu.vector_load %arg7[%get3A_24, %get3A_25, %get3A_26] {strides = array<i32>} : memref<1x2x128xf32, #tpu.memory_space<vmem>>, vector<16xf32>,
    %get3A_28 = arith.constant 0 : i32
    %get3A_29 = arith.constant 1 : i32
    %get3A_30 = arith.index_cast %get3A_28 : i32 to index
    %get3A_31 = arith.index_cast %get3A_29 : i32 to index
    %get3A_32 = arith.constant 0 : index
    %get3A_33 = tpu.vector_load %arg7[%get3A_30, %get3A_31, %get3A_32] {strides = array<i32>} : memref<1x2x128xf32, #tpu.memory_space<vmem>>, vector<16xf32>,
    %sub3A_34 = arith.subf %get3A_33, %get3A_27 : vector<16xf32>
    %mul3A_35 = arith.mulf %sub3A_34, %get3A_6 : vector<16xf32>
    %abs3A = math.absf %mul3A_35 : vector<16xf32>
    %le3A = arith.cmpf ole, %abs3A, %broadcast_in_dim3A_11 : vector<16xf32>
    %select_n3A_36 = arith.select %le3A, %mul3A_35, %broadcast_in_dim3A_9 : vector<16xi1>, vector<16xf32>
    %select_n3A_37 = arith.select %ge3A_21, %select_n3A_36, %broadcast_in_dim3A_9 : vector<16xi1>, vector<16xf32>
    %add3A_38 = arith.addf %parallel_loop3A_14#0, %select_n3A_37 : vector<16xf32>
    %select_n3A_39 = arith.select %ge3A_21, %select_n3A_36, %broadcast_in_dim3A_7 : vector<16xi1>, vector<16xf32>
    %min3A = arith.minimumf %parallel_loop3A_14#1, %select_n3A_39 : vector<16xf32>
    %max3A_40 = arith.maximumf %parallel_loop3A_14#2, %min3A : vector<16xf32>
    %max3A_41 = arith.maximumf %parallel_loop3A_14#1, %select_n3A_39 : vector<16xf32>
    %get3A_42 = arith.constant 0 : i32
    %get3A_43 = arith.constant 0 : i32
    %get3A_44 = arith.index_cast %get3A_42 : i32 to index
    %get3A_45 = arith.index_cast %get3A_43 : i32 to index
    %get3A_46 = arith.constant 16 : index
    %get3A_47 = tpu.vector_load %arg7[%get3A_44, %get3A_45, %get3A_46] {strides = array<i32>} : memref<1x2x128xf32, #tpu.memory_space<vmem>>, vector<16xf32>,
    %get3A_48 = arith.constant 0 : i32
    %get3A_49 = arith.constant 1 : i32
    %get3A_50 = arith.index_cast %get3A_48 : i32 to index
    %get3A_51 = arith.index_cast %get3A_49 : i32 to index
    %get3A_52 = arith.constant 16 : index
    %get3A_53 = tpu.vector_load %arg7[%get3A_50, %get3A_51, %get3A_52] {strides = array<i32>} : memref<1x2x128xf32, #tpu.memory_space<vmem>>, vector<16xf32>,
    %sub3A_54 = arith.subf %get3A_53, %get3A_47 : vector<16xf32>
    %mul3A_55 = arith.mulf %sub3A_54, %get3A_6 : vector<16xf32>
    %abs3A_56 = math.absf %mul3A_55 : vector<16xf32>
    %le3A_57 = arith.cmpf ole, %abs3A_56, %broadcast_in_dim3A_11 : vector<16xf32>
    %select_n3A_58 = arith.select %le3A_57, %mul3A_55, %broadcast_in_dim3A_9 : vector<16xi1>, vector<16xf32>
    %select_n3A_59 = arith.select %ge3A_21, %select_n3A_58, %broadcast_in_dim3A_9 : vector<16xi1>, vector<16xf32>
    %add3A_60 = arith.addf %add3A_38, %select_n3A_59 : vector<16xf32>
    %select_n3A_61 = arith.select %ge3A_21, %select_n3A_58, %broadcast_in_dim3A_7 : vector<16xi1>, vector<16xf32>
    %min3A_62 = arith.minimumf %max3A_41, %select_n3A_61 : vector<16xf32>
    %max3A_63 = arith.maximumf %max3A_40, %min3A_62 : vector<16xf32>
    %max3A_64 = arith.maximumf %max3A_41, %select_n3A_61 : vector<16xf32>
    %get3A_65 = arith.constant 0 : i32
    %get3A_66 = arith.constant 0 : i32
    %get3A_67 = arith.index_cast %get3A_65 : i32 to index
    %get3A_68 = arith.index_cast %get3A_66 : i32 to index
    %get3A_69 = arith.constant 32 : index
    %get3A_70 = tpu.vector_load %arg7[%get3A_67, %get3A_68, %get3A_69] {strides = array<i32>} : memref<1x2x128xf32, #tpu.memory_space<vmem>>, vector<16xf32>,
    %get3A_71 = arith.constant 0 : i32
    %get3A_72 = arith.constant 1 : i32
    %get3A_73 = arith.index_cast %get3A_71 : i32 to index
    %get3A_74 = arith.index_cast %get3A_72 : i32 to index
    %get3A_75 = arith.constant 32 : index
    %get3A_76 = tpu.vector_load %arg7[%get3A_73, %get3A_74, %get3A_75] {strides = array<i32>} : memref<1x2x128xf32, #tpu.memory_space<vmem>>, vector<16xf32>,
    %sub3A_77 = arith.subf %get3A_76, %get3A_70 : vector<16xf32>
    %mul3A_78 = arith.mulf %sub3A_77, %get3A_6 : vector<16xf32>
    %abs3A_79 = math.absf %mul3A_78 : vector<16xf32>
    %le3A_80 = arith.cmpf ole, %abs3A_79, %broadcast_in_dim3A_11 : vector<16xf32>
    %select_n3A_81 = arith.select %le3A_80, %mul3A_78, %broadcast_in_dim3A_9 : vector<16xi1>, vector<16xf32>
    %select_n3A_82 = arith.select %ge3A_21, %select_n3A_81, %broadcast_in_dim3A_9 : vector<16xi1>, vector<16xf32>
    %add3A_83 = arith.addf %add3A_60, %select_n3A_82 : vector<16xf32>
    %select_n3A_84 = arith.select %ge3A_21, %select_n3A_81, %broadcast_in_dim3A_7 : vector<16xi1>, vector<16xf32>
    %min3A_85 = arith.minimumf %max3A_64, %select_n3A_84 : vector<16xf32>
    %max3A_86 = arith.maximumf %max3A_63, %min3A_85 : vector<16xf32>
    %max3A_87 = arith.maximumf %max3A_64, %select_n3A_84 : vector<16xf32>
    %get3A_88 = arith.constant 0 : i32
    %get3A_89 = arith.constant 0 : i32
    %get3A_90 = arith.index_cast %get3A_88 : i32 to index
    %get3A_91 = arith.index_cast %get3A_89 : i32 to index
    %get3A_92 = arith.constant 48 : index
    %get3A_93 = tpu.vector_load %arg7[%get3A_90, %get3A_91, %get3A_92] {strides = array<i32>} : memref<1x2x128xf32, #tpu.memory_space<vmem>>, vector<16xf32>,
    %get3A_94 = arith.constant 0 : i32
    %get3A_95 = arith.constant 1 : i32
    %get3A_96 = arith.index_cast %get3A_94 : i32 to index
    %get3A_97 = arith.index_cast %get3A_95 : i32 to index
    %get3A_98 = arith.constant 48 : index
    %get3A_99 = tpu.vector_load %arg7[%get3A_96, %get3A_97, %get3A_98] {strides = array<i32>} : memref<1x2x128xf32, #tpu.memory_space<vmem>>, vector<16xf32>,
    %sub3A_100 = arith.subf %get3A_99, %get3A_93 : vector<16xf32>
    %mul3A_101 = arith.mulf %sub3A_100, %get3A_6 : vector<16xf32>
    %abs3A_102 = math.absf %mul3A_101 : vector<16xf32>
    %le3A_103 = arith.cmpf ole, %abs3A_102, %broadcast_in_dim3A_11 : vector<16xf32>
    %select_n3A_104 = arith.select %le3A_103, %mul3A_101, %broadcast_in_dim3A_9 : vector<16xi1>, vector<16xf32>
    %select_n3A_105 = arith.select %ge3A_21, %select_n3A_104, %broadcast_in_dim3A_9 : vector<16xi1>, vector<16xf32>
    %add3A_106 = arith.addf %add3A_83, %select_n3A_105 : vector<16xf32>
    %select_n3A_107 = arith.select %ge3A_21, %select_n3A_104, %broadcast_in_dim3A_7 : vector<16xi1>, vector<16xf32>
    %min3A_108 = arith.minimumf %max3A_87, %select_n3A_107 : vector<16xf32>
    %max3A_109 = arith.maximumf %max3A_86, %min3A_108 : vector<16xf32>
    %max3A_110 = arith.maximumf %max3A_87, %select_n3A_107 : vector<16xf32>
    %get3A_111 = arith.constant 0 : i32
    %get3A_112 = arith.constant 0 : i32
    %get3A_113 = arith.index_cast %get3A_111 : i32 to index
    %get3A_114 = arith.index_cast %get3A_112 : i32 to index
    %get3A_115 = arith.constant 64 : index
    %get3A_116 = tpu.vector_load %arg7[%get3A_113, %get3A_114, %get3A_115] {strides = array<i32>} : memref<1x2x128xf32, #tpu.memory_space<vmem>>, vector<16xf32>,
    %get3A_117 = arith.constant 0 : i32
    %get3A_118 = arith.constant 1 : i32
    %get3A_119 = arith.index_cast %get3A_117 : i32 to index
    %get3A_120 = arith.index_cast %get3A_118 : i32 to index
    %get3A_121 = arith.constant 64 : index
    %get3A_122 = tpu.vector_load %arg7[%get3A_119, %get3A_120, %get3A_121] {strides = array<i32>} : memref<1x2x128xf32, #tpu.memory_space<vmem>>, vector<16xf32>,
    %sub3A_123 = arith.subf %get3A_122, %get3A_116 : vector<16xf32>
    %mul3A_124 = arith.mulf %sub3A_123, %get3A_6 : vector<16xf32>
    %abs3A_125 = math.absf %mul3A_124 : vector<16xf32>
    %le3A_126 = arith.cmpf ole, %abs3A_125, %broadcast_in_dim3A_11 : vector<16xf32>
    %select_n3A_127 = arith.select %le3A_126, %mul3A_124, %broadcast_in_dim3A_9 : vector<16xi1>, vector<16xf32>
    %select_n3A_128 = arith.select %ge3A_21, %select_n3A_127, %broadcast_in_dim3A_9 : vector<16xi1>, vector<16xf32>
    %add3A_129 = arith.addf %add3A_106, %select_n3A_128 : vector<16xf32>
    %select_n3A_130 = arith.select %ge3A_21, %select_n3A_127, %broadcast_in_dim3A_7 : vector<16xi1>, vector<16xf32>
    %min3A_131 = arith.minimumf %max3A_110, %select_n3A_130 : vector<16xf32>
    %max3A_132 = arith.maximumf %max3A_109, %min3A_131 : vector<16xf32>
    %max3A_133 = arith.maximumf %max3A_110, %select_n3A_130 : vector<16xf32>
    %get3A_134 = arith.constant 0 : i32
    %get3A_135 = arith.constant 0 : i32
    %get3A_136 = arith.index_cast %get3A_134 : i32 to index
    %get3A_137 = arith.index_cast %get3A_135 : i32 to index
    %get3A_138 = arith.constant 80 : index
    %get3A_139 = tpu.vector_load %arg7[%get3A_136, %get3A_137, %get3A_138] {strides = array<i32>} : memref<1x2x128xf32, #tpu.memory_space<vmem>>, vector<16xf32>,
    %get3A_140 = arith.constant 0 : i32
    %get3A_141 = arith.constant 1 : i32
    %get3A_142 = arith.index_cast %get3A_140 : i32 to index
    %get3A_143 = arith.index_cast %get3A_141 : i32 to index
    %get3A_144 = arith.constant 80 : index
    %get3A_145 = tpu.vector_load %arg7[%get3A_142, %get3A_143, %get3A_144] {strides = array<i32>} : memref<1x2x128xf32, #tpu.memory_space<vmem>>, vector<16xf32>,
    %sub3A_146 = arith.subf %get3A_145, %get3A_139 : vector<16xf32>
    %mul3A_147 = arith.mulf %sub3A_146, %get3A_6 : vector<16xf32>
    %abs3A_148 = math.absf %mul3A_147 : vector<16xf32>
    %le3A_149 = arith.cmpf ole, %abs3A_148, %broadcast_in_dim3A_11 : vector<16xf32>
    %select_n3A_150 = arith.select %le3A_149, %mul3A_147, %broadcast_in_dim3A_9 : vector<16xi1>, vector<16xf32>
    %select_n3A_151 = arith.select %ge3A_21, %select_n3A_150, %broadcast_in_dim3A_9 : vector<16xi1>, vector<16xf32>
    %add3A_152 = arith.addf %add3A_129, %select_n3A_151 : vector<16xf32>
    %select_n3A_153 = arith.select %ge3A_21, %select_n3A_150, %broadcast_in_dim3A_7 : vector<16xi1>, vector<16xf32>
    %min3A_154 = arith.minimumf %max3A_133, %select_n3A_153 : vector<16xf32>
    %max3A_155 = arith.maximumf %max3A_132, %min3A_154 : vector<16xf32>
    %max3A_156 = arith.maximumf %max3A_133, %select_n3A_153 : vector<16xf32>
    %get3A_157 = arith.constant 0 : i32
    %get3A_158 = arith.constant 0 : i32
    %get3A_159 = arith.index_cast %get3A_157 : i32 to index
    %get3A_160 = arith.index_cast %get3A_158 : i32 to index
    %get3A_161 = arith.constant 96 : index
    %get3A_162 = tpu.vector_load %arg7[%get3A_159, %get3A_160, %get3A_161] {strides = array<i32>} : memref<1x2x128xf32, #tpu.memory_space<vmem>>, vector<16xf32>,
    %get3A_163 = arith.constant 0 : i32
    %get3A_164 = arith.constant 1 : i32
    %get3A_165 = arith.index_cast %get3A_163 : i32 to index
    %get3A_166 = arith.index_cast %get3A_164 : i32 to index
    %get3A_167 = arith.constant 96 : index
    %get3A_168 = tpu.vector_load %arg7[%get3A_165, %get3A_166, %get3A_167] {strides = array<i32>} : memref<1x2x128xf32, #tpu.memory_space<vmem>>, vector<16xf32>,
    %sub3A_169 = arith.subf %get3A_168, %get3A_162 : vector<16xf32>
    %mul3A_170 = arith.mulf %sub3A_169, %get3A_6 : vector<16xf32>
    %abs3A_171 = math.absf %mul3A_170 : vector<16xf32>
    %le3A_172 = arith.cmpf ole, %abs3A_171, %broadcast_in_dim3A_11 : vector<16xf32>
    %select_n3A_173 = arith.select %le3A_172, %mul3A_170, %broadcast_in_dim3A_9 : vector<16xi1>, vector<16xf32>
    %select_n3A_174 = arith.select %ge3A_21, %select_n3A_173, %broadcast_in_dim3A_9 : vector<16xi1>, vector<16xf32>
    %add3A_175 = arith.addf %add3A_152, %select_n3A_174 : vector<16xf32>
    %select_n3A_176 = arith.select %ge3A_21, %select_n3A_173, %broadcast_in_dim3A_7 : vector<16xi1>, vector<16xf32>
    %min3A_177 = arith.minimumf %max3A_156, %select_n3A_176 : vector<16xf32>
    %max3A_178 = arith.maximumf %max3A_155, %min3A_177 : vector<16xf32>
    %max3A_179 = arith.maximumf %max3A_156, %select_n3A_176 : vector<16xf32>
    %get3A_180 = arith.constant 0 : i32
    %get3A_181 = arith.constant 0 : i32
    %get3A_182 = arith.index_cast %get3A_180 : i32 to index
    %get3A_183 = arith.index_cast %get3A_181 : i32 to index
    %get3A_184 = arith.constant 112 : index
    %get3A_185 = tpu.vector_load %arg7[%get3A_182, %get3A_183, %get3A_184] {strides = array<i32>} : memref<1x2x128xf32, #tpu.memory_space<vmem>>, vector<16xf32>,
    %get3A_186 = arith.constant 0 : i32
    %get3A_187 = arith.constant 1 : i32
    %get3A_188 = arith.index_cast %get3A_186 : i32 to index
    %get3A_189 = arith.index_cast %get3A_187 : i32 to index
    %get3A_190 = arith.constant 112 : index
    %get3A_191 = tpu.vector_load %arg7[%get3A_188, %get3A_189, %get3A_190] {strides = array<i32>} : memref<1x2x128xf32, #tpu.memory_space<vmem>>, vector<16xf32>,
    %sub3A_192 = arith.subf %get3A_191, %get3A_185 : vector<16xf32>
    %mul3A_193 = arith.mulf %sub3A_192, %get3A_6 : vector<16xf32>
    %abs3A_194 = math.absf %mul3A_193 : vector<16xf32>
    %le3A_195 = arith.cmpf ole, %abs3A_194, %broadcast_in_dim3A_11 : vector<16xf32>
    %select_n3A_196 = arith.select %le3A_195, %mul3A_193, %broadcast_in_dim3A_9 : vector<16xi1>, vector<16xf32>
    %select_n3A_197 = arith.select %ge3A_21, %select_n3A_196, %broadcast_in_dim3A_9 : vector<16xi1>, vector<16xf32>
    %add3A_198 = arith.addf %add3A_175, %select_n3A_197 : vector<16xf32>
    %select_n3A_199 = arith.select %ge3A_21, %select_n3A_196, %broadcast_in_dim3A_7 : vector<16xi1>, vector<16xf32>
    %min3A_200 = arith.minimumf %max3A_179, %select_n3A_199 : vector<16xf32>
    %max3A_201 = arith.maximumf %max3A_178, %min3A_200 : vector<16xf32>
    %max3A_202 = arith.maximumf %max3A_179, %select_n3A_199 : vector<16xf32>
    %swap3A = arith.constant 0 : index
    %swap3A_203 = tpu.vector_load %arg10[%swap3A] {strides = array<i32>} : memref<48xf32, #tpu.memory_space<vmem>>, vector<16xf32>,
    tpu.vector_store %arg10[%swap3A], %add3A_198 {strides = array<i32>} : memref<48xf32, #tpu.memory_space<vmem>>, vector<16xf32>,
    %swap3A_204 = arith.constant 16 : index
    %swap3A_205 = tpu.vector_load %arg10[%swap3A_204] {strides = array<i32>} : memref<48xf32, #tpu.memory_space<vmem>>, vector<16xf32>,
    tpu.vector_store %arg10[%swap3A_204], %max3A_202 {strides = array<i32>} : memref<48xf32, #tpu.memory_space<vmem>>, vector<16xf32>,
    %swap3A_206 = arith.constant 32 : index
    %swap3A_207 = tpu.vector_load %arg10[%swap3A_206] {strides = array<i32>} : memref<48xf32, #tpu.memory_space<vmem>>, vector<16xf32>,
    tpu.vector_store %arg10[%swap3A_206], %max3A_201 {strides = array<i32>} : memref<48xf32, #tpu.memory_space<vmem>>, vector<16xf32>,
    %mul3A_208 = arith.constant 48 : i32
    %mul3A_209 = arith.muli %add3A, %mul3A_208 : i32
    "tpu.region"() ({
      %run_scoped3A = tpu.sem_alloc : memref<!tpu.dma_semaphore, #tpu.memory_space<semaphore_mem>>
      %dma_start3A = tpu.memref_slice %arg5[%mul3A_209] : memref<1536xf32, #tpu.memory_space<hbm>> -> memref<48xf32, #tpu.memory_space<hbm>>
      %dma_start3A_210 = tpu.memref_slice %arg5[%mul3A_209] : memref<1536xf32, #tpu.memory_space<hbm>> -> memref<48xf32, #tpu.memory_space<hbm>>
      tpu.enqueue_dma source(%arg10 : memref<48xf32, #tpu.memory_space<vmem>>) target(%dma_start3A_210 : memref<48xf32, #tpu.memory_space<hbm>>) target_semaphore(%run_scoped3A : memref<!tpu.dma_semaphore, #tpu.memory_space<semaphore_mem>>)
      %dma_wait3A = tpu.memref_slice %arg5[%mul3A_209] : memref<1536xf32, #tpu.memory_space<hbm>> -> memref<48xf32, #tpu.memory_space<hbm>>
      %dma_wait3A_211 = tpu.memref_slice %arg5[%mul3A_209] : memref<1536xf32, #tpu.memory_space<hbm>> -> memref<48xf32, #tpu.memory_space<hbm>>
      tpu.wait_dma2 semaphore(%run_scoped3A : memref<!tpu.dma_semaphore, #tpu.memory_space<semaphore_mem>>) src(%arg10 : memref<48xf32, #tpu.memory_space<vmem>>) dst(%dma_wait3A_211 : memref<48xf32, #tpu.memory_space<hbm>>)
      tpu.yield
    }) : () -> ()
    return
  }
}

#map = affine_map<(d0, d1) -> (0, 0, 0)>
#map1 = affine_map<(d0, d1) -> (0)>
module attributes {stable_mosaic.version = 14 : i64} {
  func.func @_scan_body(%arg0: i32, %arg1: i32, %arg2: memref<4356x2x128xf32, #tpu.memory_space<hbm>>, %arg3: memref<128xf32, #tpu.memory_space<hbm>>, %arg4: memref<16xf32, #tpu.memory_space<hbm>>, %arg5: memref<1536xf32, #tpu.memory_space<hbm>>, %arg6: memref<136x2x128xf32, #tpu.memory_space<vmem>>, %arg7: memref<1x2x128xf32, #tpu.memory_space<vmem>>, %arg8: memref<128xf32, #tpu.memory_space<vmem>>, %arg9: memref<16xf32, #tpu.memory_space<vmem>>, %arg10: memref<48xf32, #tpu.memory_space<vmem>>) attributes {dimension_semantics = [#tpu.dimension_semantics<core_parallel>, #tpu.dimension_semantics<subcore_parallel>], iteration_bounds = array<i64: 2, 16>, scalar_prefetch = 0 : i64, scratch_operands = 5 : i64, tpu.core_type = #tpu.core_type<sc_vector_subcore>, window_params = [{transform_indices = #map}, {transform_indices = #map1}, {transform_indices = #map1}, {transform_indices = #map1}]} {
    %mul3A = arith.constant 16 : i32
    %mul3A_0 = arith.muli %arg0, %mul3A : i32
    %add3A = arith.addi %mul3A_0, %arg1 : i32
    %sub3A = arith.constant 28 : i32
    %sub3A_1 = arith.subi %add3A, %sub3A : i32
    %max3A = arith.constant 0 : i32
    %max3A_2 = arith.maxsi %sub3A_1, %max3A : i32
    %mul3A_3 = arith.constant 136 : i32
    %mul3A_4 = arith.muli %add3A, %mul3A_3 : i32
    %add3A_5 = arith.addi %mul3A_4, %max3A_2 : i32
    "tpu.region"() ({
      %run_scoped3A = tpu.sem_alloc : memref<!tpu.dma_semaphore, #tpu.memory_space<semaphore_mem>>
      %dma_start3A = arith.constant 0 : i32
      %dma_start3A_300 = arith.constant 0 : i32
      %dma_start3A_301 = tpu.memref_slice %arg2[%add3A_5, %dma_start3A, %dma_start3A_300] : memref<4356x2x128xf32, #tpu.memory_space<hbm>> -> memref<136x2x128xf32, #tpu.memory_space<hbm>>
      %dma_start3A_302 = arith.constant 0 : i32
      %dma_start3A_303 = arith.constant 0 : i32
      %dma_start3A_304 = tpu.memref_slice %arg2[%add3A_5, %dma_start3A_302, %dma_start3A_303] : memref<4356x2x128xf32, #tpu.memory_space<hbm>> -> memref<136x2x128xf32, #tpu.memory_space<hbm>>
      tpu.enqueue_dma source(%dma_start3A_304 : memref<136x2x128xf32, #tpu.memory_space<hbm>>) target(%arg6 : memref<136x2x128xf32, #tpu.memory_space<vmem>>) target_semaphore(%run_scoped3A : memref<!tpu.dma_semaphore, #tpu.memory_space<semaphore_mem>>)
      %dma_wait3A = arith.constant 0 : i32
      %dma_wait3A_305 = arith.constant 0 : i32
      %dma_wait3A_306 = tpu.memref_slice %arg2[%add3A_5, %dma_wait3A, %dma_wait3A_305] : memref<4356x2x128xf32, #tpu.memory_space<hbm>> -> memref<136x2x128xf32, #tpu.memory_space<hbm>>
      %dma_wait3A_307 = arith.constant 0 : i32
      %dma_wait3A_308 = arith.constant 0 : i32
      %dma_wait3A_309 = tpu.memref_slice %arg2[%add3A_5, %dma_wait3A_307, %dma_wait3A_308] : memref<4356x2x128xf32, #tpu.memory_space<hbm>> -> memref<136x2x128xf32, #tpu.memory_space<hbm>>
      tpu.wait_dma2 semaphore(%run_scoped3A : memref<!tpu.dma_semaphore, #tpu.memory_space<semaphore_mem>>) src(%dma_wait3A_309 : memref<136x2x128xf32, #tpu.memory_space<hbm>>) dst(%arg6 : memref<136x2x128xf32, #tpu.memory_space<vmem>>)
      tpu.yield
    }) : () -> ()
    "tpu.region"() ({
      %run_scoped3A = tpu.sem_alloc : memref<!tpu.dma_semaphore, #tpu.memory_space<semaphore_mem>>
      tpu.enqueue_dma source(%arg4 : memref<16xf32, #tpu.memory_space<hbm>>) target(%arg9 : memref<16xf32, #tpu.memory_space<vmem>>) target_semaphore(%run_scoped3A : memref<!tpu.dma_semaphore, #tpu.memory_space<semaphore_mem>>)
      tpu.wait_dma2 semaphore(%run_scoped3A : memref<!tpu.dma_semaphore, #tpu.memory_space<semaphore_mem>>) src(%arg4 : memref<16xf32, #tpu.memory_space<hbm>>) dst(%arg9 : memref<16xf32, #tpu.memory_space<vmem>>)
      tpu.yield
    }) : () -> ()
    %get3A = arith.constant 0 : index
    %get3A_6 = tpu.vector_load %arg9[%get3A] {strides = array<i32>} : memref<16xf32, #tpu.memory_space<vmem>>, vector<16xf32>,
    %broadcast_in_dim3A = arith.constant 0xFF800000 : f32
    %broadcast_in_dim3A_7 = vector.broadcast %broadcast_in_dim3A : f32 to vector<16xf32>
    %broadcast_in_dim3A_8 = arith.constant 0.000000e+00 : f32
    %broadcast_in_dim3A_9 = vector.broadcast %broadcast_in_dim3A_8 : f32 to vector<16xf32>
    %broadcast_in_dim3A_10 = arith.constant 3.40282347E+38 : f32
    %broadcast_in_dim3A_11 = vector.broadcast %broadcast_in_dim3A_10 : f32 to vector<16xf32>
    %parallel_loop3A = arith.constant 0 : i32
    %parallel_loop3A_12 = arith.constant 136 : i32
    %parallel_loop3A_13 = arith.constant 1 : i32
    %parallel_loop3A_14:3 = scf.for %parallel_loop3A_300 = %parallel_loop3A to %parallel_loop3A_12 step %parallel_loop3A_13 iter_args(%parallel_loop3A_301 = %broadcast_in_dim3A_9, %parallel_loop3A_302 = %broadcast_in_dim3A_7, %parallel_loop3A_303 = %broadcast_in_dim3A_7) -> (vector<16xf32>, vector<16xf32>, vector<16xf32>)  : i32 {
      %parallel_loop3A_304 = arith.constant 0 : i32
      %parallel_loop3A_305 = arith.index_cast %parallel_loop3A_300 : i32 to index
      %parallel_loop3A_306 = arith.index_cast %parallel_loop3A_304 : i32 to index
      %parallel_loop3A_307 = arith.constant 0 : index
      %parallel_loop3A_308 = tpu.vector_load %arg6[%parallel_loop3A_305, %parallel_loop3A_306, %parallel_loop3A_307] {strides = array<i32>} : memref<136x2x128xf32, #tpu.memory_space<vmem>>, vector<16xf32>,
      %parallel_loop3A_309 = arith.constant 1 : i32
      %parallel_loop3A_310 = arith.index_cast %parallel_loop3A_300 : i32 to index
      %parallel_loop3A_311 = arith.index_cast %parallel_loop3A_309 : i32 to index
      %parallel_loop3A_312 = arith.constant 0 : index
      %parallel_loop3A_313 = tpu.vector_load %arg6[%parallel_loop3A_310, %parallel_loop3A_311, %parallel_loop3A_312] {strides = array<i32>} : memref<136x2x128xf32, #tpu.memory_space<vmem>>, vector<16xf32>,
      %parallel_loop3A_314 = arith.subf %parallel_loop3A_313, %parallel_loop3A_308 : vector<16xf32>
      %parallel_loop3A_315 = arith.mulf %parallel_loop3A_314, %get3A_6 : vector<16xf32>
      %parallel_loop3A_316 = math.absf %parallel_loop3A_315 : vector<16xf32>
      %parallel_loop3A_317 = arith.cmpf ole, %parallel_loop3A_316, %broadcast_in_dim3A_11 : vector<16xf32>
      %parallel_loop3A_318 = arith.select %parallel_loop3A_317, %parallel_loop3A_315, %broadcast_in_dim3A_9 : vector<16xi1>, vector<16xf32>
      %parallel_loop3A_319 = arith.addf %parallel_loop3A_301, %parallel_loop3A_318 : vector<16xf32>
      %parallel_loop3A_320 = arith.minimumf %parallel_loop3A_302, %parallel_loop3A_318 : vector<16xf32>
      %parallel_loop3A_321 = arith.maximumf %parallel_loop3A_303, %parallel_loop3A_320 : vector<16xf32>
      %parallel_loop3A_322 = arith.maximumf %parallel_loop3A_302, %parallel_loop3A_318 : vector<16xf32>
      %parallel_loop3A_323 = arith.constant 0 : i32
      %parallel_loop3A_324 = arith.index_cast %parallel_loop3A_300 : i32 to index
      %parallel_loop3A_325 = arith.index_cast %parallel_loop3A_323 : i32 to index
      %parallel_loop3A_326 = arith.constant 16 : index
      %parallel_loop3A_327 = tpu.vector_load %arg6[%parallel_loop3A_324, %parallel_loop3A_325, %parallel_loop3A_326] {strides = array<i32>} : memref<136x2x128xf32, #tpu.memory_space<vmem>>, vector<16xf32>,
      %parallel_loop3A_328 = arith.constant 1 : i32
      %parallel_loop3A_329 = arith.index_cast %parallel_loop3A_300 : i32 to index
      %parallel_loop3A_330 = arith.index_cast %parallel_loop3A_328 : i32 to index
      %parallel_loop3A_331 = arith.constant 16 : index
      %parallel_loop3A_332 = tpu.vector_load %arg6[%parallel_loop3A_329, %parallel_loop3A_330, %parallel_loop3A_331] {strides = array<i32>} : memref<136x2x128xf32, #tpu.memory_space<vmem>>, vector<16xf32>,
      %parallel_loop3A_333 = arith.subf %parallel_loop3A_332, %parallel_loop3A_327 : vector<16xf32>
      %parallel_loop3A_334 = arith.mulf %parallel_loop3A_333, %get3A_6 : vector<16xf32>
      %parallel_loop3A_335 = math.absf %parallel_loop3A_334 : vector<16xf32>
      %parallel_loop3A_336 = arith.cmpf ole, %parallel_loop3A_335, %broadcast_in_dim3A_11 : vector<16xf32>
      %parallel_loop3A_337 = arith.select %parallel_loop3A_336, %parallel_loop3A_334, %broadcast_in_dim3A_9 : vector<16xi1>, vector<16xf32>
      %parallel_loop3A_338 = arith.addf %parallel_loop3A_319, %parallel_loop3A_337 : vector<16xf32>
      %parallel_loop3A_339 = arith.minimumf %parallel_loop3A_322, %parallel_loop3A_337 : vector<16xf32>
      %parallel_loop3A_340 = arith.maximumf %parallel_loop3A_321, %parallel_loop3A_339 : vector<16xf32>
      %parallel_loop3A_341 = arith.maximumf %parallel_loop3A_322, %parallel_loop3A_337 : vector<16xf32>
      %parallel_loop3A_342 = arith.constant 0 : i32
      %parallel_loop3A_343 = arith.index_cast %parallel_loop3A_300 : i32 to index
      %parallel_loop3A_344 = arith.index_cast %parallel_loop3A_342 : i32 to index
      %parallel_loop3A_345 = arith.constant 32 : index
      %parallel_loop3A_346 = tpu.vector_load %arg6[%parallel_loop3A_343, %parallel_loop3A_344, %parallel_loop3A_345] {strides = array<i32>} : memref<136x2x128xf32, #tpu.memory_space<vmem>>, vector<16xf32>,
      %parallel_loop3A_347 = arith.constant 1 : i32
      %parallel_loop3A_348 = arith.index_cast %parallel_loop3A_300 : i32 to index
      %parallel_loop3A_349 = arith.index_cast %parallel_loop3A_347 : i32 to index
      %parallel_loop3A_350 = arith.constant 32 : index
      %parallel_loop3A_351 = tpu.vector_load %arg6[%parallel_loop3A_348, %parallel_loop3A_349, %parallel_loop3A_350] {strides = array<i32>} : memref<136x2x128xf32, #tpu.memory_space<vmem>>, vector<16xf32>,
      %parallel_loop3A_352 = arith.subf %parallel_loop3A_351, %parallel_loop3A_346 : vector<16xf32>
      %parallel_loop3A_353 = arith.mulf %parallel_loop3A_352, %get3A_6 : vector<16xf32>
      %parallel_loop3A_354 = math.absf %parallel_loop3A_353 : vector<16xf32>
      %parallel_loop3A_355 = arith.cmpf ole, %parallel_loop3A_354, %broadcast_in_dim3A_11 : vector<16xf32>
      %parallel_loop3A_356 = arith.select %parallel_loop3A_355, %parallel_loop3A_353, %broadcast_in_dim3A_9 : vector<16xi1>, vector<16xf32>
      %parallel_loop3A_357 = arith.addf %parallel_loop3A_338, %parallel_loop3A_356 : vector<16xf32>
      %parallel_loop3A_358 = arith.minimumf %parallel_loop3A_341, %parallel_loop3A_356 : vector<16xf32>
      %parallel_loop3A_359 = arith.maximumf %parallel_loop3A_340, %parallel_loop3A_358 : vector<16xf32>
      %parallel_loop3A_360 = arith.maximumf %parallel_loop3A_341, %parallel_loop3A_356 : vector<16xf32>
      %parallel_loop3A_361 = arith.constant 0 : i32
      %parallel_loop3A_362 = arith.index_cast %parallel_loop3A_300 : i32 to index
      %parallel_loop3A_363 = arith.index_cast %parallel_loop3A_361 : i32 to index
      %parallel_loop3A_364 = arith.constant 48 : index
      %parallel_loop3A_365 = tpu.vector_load %arg6[%parallel_loop3A_362, %parallel_loop3A_363, %parallel_loop3A_364] {strides = array<i32>} : memref<136x2x128xf32, #tpu.memory_space<vmem>>, vector<16xf32>,
      %parallel_loop3A_366 = arith.constant 1 : i32
      %parallel_loop3A_367 = arith.index_cast %parallel_loop3A_300 : i32 to index
      %parallel_loop3A_368 = arith.index_cast %parallel_loop3A_366 : i32 to index
      %parallel_loop3A_369 = arith.constant 48 : index
      %parallel_loop3A_370 = tpu.vector_load %arg6[%parallel_loop3A_367, %parallel_loop3A_368, %parallel_loop3A_369] {strides = array<i32>} : memref<136x2x128xf32, #tpu.memory_space<vmem>>, vector<16xf32>,
      %parallel_loop3A_371 = arith.subf %parallel_loop3A_370, %parallel_loop3A_365 : vector<16xf32>
      %parallel_loop3A_372 = arith.mulf %parallel_loop3A_371, %get3A_6 : vector<16xf32>
      %parallel_loop3A_373 = math.absf %parallel_loop3A_372 : vector<16xf32>
      %parallel_loop3A_374 = arith.cmpf ole, %parallel_loop3A_373, %broadcast_in_dim3A_11 : vector<16xf32>
      %parallel_loop3A_375 = arith.select %parallel_loop3A_374, %parallel_loop3A_372, %broadcast_in_dim3A_9 : vector<16xi1>, vector<16xf32>
      %parallel_loop3A_376 = arith.addf %parallel_loop3A_357, %parallel_loop3A_375 : vector<16xf32>
      %parallel_loop3A_377 = arith.minimumf %parallel_loop3A_360, %parallel_loop3A_375 : vector<16xf32>
      %parallel_loop3A_378 = arith.maximumf %parallel_loop3A_359, %parallel_loop3A_377 : vector<16xf32>
      %parallel_loop3A_379 = arith.maximumf %parallel_loop3A_360, %parallel_loop3A_375 : vector<16xf32>
      %parallel_loop3A_380 = arith.constant 0 : i32
      %parallel_loop3A_381 = arith.index_cast %parallel_loop3A_300 : i32 to index
      %parallel_loop3A_382 = arith.index_cast %parallel_loop3A_380 : i32 to index
      %parallel_loop3A_383 = arith.constant 64 : index
      %parallel_loop3A_384 = tpu.vector_load %arg6[%parallel_loop3A_381, %parallel_loop3A_382, %parallel_loop3A_383] {strides = array<i32>} : memref<136x2x128xf32, #tpu.memory_space<vmem>>, vector<16xf32>,
      %parallel_loop3A_385 = arith.constant 1 : i32
      %parallel_loop3A_386 = arith.index_cast %parallel_loop3A_300 : i32 to index
      %parallel_loop3A_387 = arith.index_cast %parallel_loop3A_385 : i32 to index
      %parallel_loop3A_388 = arith.constant 64 : index
      %parallel_loop3A_389 = tpu.vector_load %arg6[%parallel_loop3A_386, %parallel_loop3A_387, %parallel_loop3A_388] {strides = array<i32>} : memref<136x2x128xf32, #tpu.memory_space<vmem>>, vector<16xf32>,
      %parallel_loop3A_390 = arith.subf %parallel_loop3A_389, %parallel_loop3A_384 : vector<16xf32>
      %parallel_loop3A_391 = arith.mulf %parallel_loop3A_390, %get3A_6 : vector<16xf32>
      %parallel_loop3A_392 = math.absf %parallel_loop3A_391 : vector<16xf32>
      %parallel_loop3A_393 = arith.cmpf ole, %parallel_loop3A_392, %broadcast_in_dim3A_11 : vector<16xf32>
      %parallel_loop3A_394 = arith.select %parallel_loop3A_393, %parallel_loop3A_391, %broadcast_in_dim3A_9 : vector<16xi1>, vector<16xf32>
      %parallel_loop3A_395 = arith.addf %parallel_loop3A_376, %parallel_loop3A_394 : vector<16xf32>
      %parallel_loop3A_396 = arith.minimumf %parallel_loop3A_379, %parallel_loop3A_394 : vector<16xf32>
      %parallel_loop3A_397 = arith.maximumf %parallel_loop3A_378, %parallel_loop3A_396 : vector<16xf32>
      %parallel_loop3A_398 = arith.maximumf %parallel_loop3A_379, %parallel_loop3A_394 : vector<16xf32>
      %parallel_loop3A_399 = arith.constant 0 : i32
      %parallel_loop3A_400 = arith.index_cast %parallel_loop3A_300 : i32 to index
      %parallel_loop3A_401 = arith.index_cast %parallel_loop3A_399 : i32 to index
      %parallel_loop3A_402 = arith.constant 80 : index
      %parallel_loop3A_403 = tpu.vector_load %arg6[%parallel_loop3A_400, %parallel_loop3A_401, %parallel_loop3A_402] {strides = array<i32>} : memref<136x2x128xf32, #tpu.memory_space<vmem>>, vector<16xf32>,
      %parallel_loop3A_404 = arith.constant 1 : i32
      %parallel_loop3A_405 = arith.index_cast %parallel_loop3A_300 : i32 to index
      %parallel_loop3A_406 = arith.index_cast %parallel_loop3A_404 : i32 to index
      %parallel_loop3A_407 = arith.constant 80 : index
      %parallel_loop3A_408 = tpu.vector_load %arg6[%parallel_loop3A_405, %parallel_loop3A_406, %parallel_loop3A_407] {strides = array<i32>} : memref<136x2x128xf32, #tpu.memory_space<vmem>>, vector<16xf32>,
      %parallel_loop3A_409 = arith.subf %parallel_loop3A_408, %parallel_loop3A_403 : vector<16xf32>
      %parallel_loop3A_410 = arith.mulf %parallel_loop3A_409, %get3A_6 : vector<16xf32>
      %parallel_loop3A_411 = math.absf %parallel_loop3A_410 : vector<16xf32>
      %parallel_loop3A_412 = arith.cmpf ole, %parallel_loop3A_411, %broadcast_in_dim3A_11 : vector<16xf32>
      %parallel_loop3A_413 = arith.select %parallel_loop3A_412, %parallel_loop3A_410, %broadcast_in_dim3A_9 : vector<16xi1>, vector<16xf32>
      %parallel_loop3A_414 = arith.addf %parallel_loop3A_395, %parallel_loop3A_413 : vector<16xf32>
      %parallel_loop3A_415 = arith.minimumf %parallel_loop3A_398, %parallel_loop3A_413 : vector<16xf32>
      %parallel_loop3A_416 = arith.maximumf %parallel_loop3A_397, %parallel_loop3A_415 : vector<16xf32>
      %parallel_loop3A_417 = arith.maximumf %parallel_loop3A_398, %parallel_loop3A_413 : vector<16xf32>
      %parallel_loop3A_418 = arith.constant 0 : i32
      %parallel_loop3A_419 = arith.index_cast %parallel_loop3A_300 : i32 to index
      %parallel_loop3A_420 = arith.index_cast %parallel_loop3A_418 : i32 to index
      %parallel_loop3A_421 = arith.constant 96 : index
      %parallel_loop3A_422 = tpu.vector_load %arg6[%parallel_loop3A_419, %parallel_loop3A_420, %parallel_loop3A_421] {strides = array<i32>} : memref<136x2x128xf32, #tpu.memory_space<vmem>>, vector<16xf32>,
      %parallel_loop3A_423 = arith.constant 1 : i32
      %parallel_loop3A_424 = arith.index_cast %parallel_loop3A_300 : i32 to index
      %parallel_loop3A_425 = arith.index_cast %parallel_loop3A_423 : i32 to index
      %parallel_loop3A_426 = arith.constant 96 : index
      %parallel_loop3A_427 = tpu.vector_load %arg6[%parallel_loop3A_424, %parallel_loop3A_425, %parallel_loop3A_426] {strides = array<i32>} : memref<136x2x128xf32, #tpu.memory_space<vmem>>, vector<16xf32>,
      %parallel_loop3A_428 = arith.subf %parallel_loop3A_427, %parallel_loop3A_422 : vector<16xf32>
      %parallel_loop3A_429 = arith.mulf %parallel_loop3A_428, %get3A_6 : vector<16xf32>
      %parallel_loop3A_430 = math.absf %parallel_loop3A_429 : vector<16xf32>
      %parallel_loop3A_431 = arith.cmpf ole, %parallel_loop3A_430, %broadcast_in_dim3A_11 : vector<16xf32>
      %parallel_loop3A_432 = arith.select %parallel_loop3A_431, %parallel_loop3A_429, %broadcast_in_dim3A_9 : vector<16xi1>, vector<16xf32>
      %parallel_loop3A_433 = arith.addf %parallel_loop3A_414, %parallel_loop3A_432 : vector<16xf32>
      %parallel_loop3A_434 = arith.minimumf %parallel_loop3A_417, %parallel_loop3A_432 : vector<16xf32>
      %parallel_loop3A_435 = arith.maximumf %parallel_loop3A_416, %parallel_loop3A_434 : vector<16xf32>
      %parallel_loop3A_436 = arith.maximumf %parallel_loop3A_417, %parallel_loop3A_432 : vector<16xf32>
      %parallel_loop3A_437 = arith.constant 0 : i32
      %parallel_loop3A_438 = arith.index_cast %parallel_loop3A_300 : i32 to index
      %parallel_loop3A_439 = arith.index_cast %parallel_loop3A_437 : i32 to index
      %parallel_loop3A_440 = arith.constant 112 : index
      %parallel_loop3A_441 = tpu.vector_load %arg6[%parallel_loop3A_438, %parallel_loop3A_439, %parallel_loop3A_440] {strides = array<i32>} : memref<136x2x128xf32, #tpu.memory_space<vmem>>, vector<16xf32>,
      %parallel_loop3A_442 = arith.constant 1 : i32
      %parallel_loop3A_443 = arith.index_cast %parallel_loop3A_300 : i32 to index
      %parallel_loop3A_444 = arith.index_cast %parallel_loop3A_442 : i32 to index
      %parallel_loop3A_445 = arith.constant 112 : index
      %parallel_loop3A_446 = tpu.vector_load %arg6[%parallel_loop3A_443, %parallel_loop3A_444, %parallel_loop3A_445] {strides = array<i32>} : memref<136x2x128xf32, #tpu.memory_space<vmem>>, vector<16xf32>,
      %parallel_loop3A_447 = arith.subf %parallel_loop3A_446, %parallel_loop3A_441 : vector<16xf32>
      %parallel_loop3A_448 = arith.mulf %parallel_loop3A_447, %get3A_6 : vector<16xf32>
      %parallel_loop3A_449 = math.absf %parallel_loop3A_448 : vector<16xf32>
      %parallel_loop3A_450 = arith.cmpf ole, %parallel_loop3A_449, %broadcast_in_dim3A_11 : vector<16xf32>
      %parallel_loop3A_451 = arith.select %parallel_loop3A_450, %parallel_loop3A_448, %broadcast_in_dim3A_9 : vector<16xi1>, vector<16xf32>
      %parallel_loop3A_452 = arith.addf %parallel_loop3A_433, %parallel_loop3A_451 : vector<16xf32>
      %parallel_loop3A_453 = arith.minimumf %parallel_loop3A_436, %parallel_loop3A_451 : vector<16xf32>
      %parallel_loop3A_454 = arith.maximumf %parallel_loop3A_435, %parallel_loop3A_453 : vector<16xf32>
      %parallel_loop3A_455 = arith.maximumf %parallel_loop3A_436, %parallel_loop3A_451 : vector<16xf32>
      scf.yield %parallel_loop3A_452, %parallel_loop3A_455, %parallel_loop3A_454 : vector<16xf32>, vector<16xf32>, vector<16xf32>
    } {sc.loop_unroll_factor = 4 : i64, sc.parallel_access}
    %ge3A = arith.constant 28 : i32
    %ge3A_15 = arith.cmpi sge, %add3A, %ge3A : i32
    %add3A_16 = arith.constant 136 : i32
    %add3A_17 = arith.addi %add3A_5, %add3A_16 : i32
    %jit3A = arith.constant 0 : i32
    %select_n3A = arith.select %ge3A_15, %add3A_17, %jit3A : i32
    "tpu.region"() ({
      %run_scoped3A = tpu.sem_alloc : memref<!tpu.dma_semaphore, #tpu.memory_space<semaphore_mem>>
      %dma_start3A = arith.constant 0 : i32
      %dma_start3A_300 = arith.constant 0 : i32
      %dma_start3A_301 = tpu.memref_slice %arg2[%select_n3A, %dma_start3A, %dma_start3A_300] : memref<4356x2x128xf32, #tpu.memory_space<hbm>> -> memref<1x2x128xf32, #tpu.memory_space<hbm>>
      %dma_start3A_302 = arith.constant 0 : i32
      %dma_start3A_303 = arith.constant 0 : i32
      %dma_start3A_304 = tpu.memref_slice %arg2[%select_n3A, %dma_start3A_302, %dma_start3A_303] : memref<4356x2x128xf32, #tpu.memory_space<hbm>> -> memref<1x2x128xf32, #tpu.memory_space<hbm>>
      tpu.enqueue_dma source(%dma_start3A_304 : memref<1x2x128xf32, #tpu.memory_space<hbm>>) target(%arg7 : memref<1x2x128xf32, #tpu.memory_space<vmem>>) target_semaphore(%run_scoped3A : memref<!tpu.dma_semaphore, #tpu.memory_space<semaphore_mem>>)
      %dma_wait3A = arith.constant 0 : i32
      %dma_wait3A_305 = arith.constant 0 : i32
      %dma_wait3A_306 = tpu.memref_slice %arg2[%select_n3A, %dma_wait3A, %dma_wait3A_305] : memref<4356x2x128xf32, #tpu.memory_space<hbm>> -> memref<1x2x128xf32, #tpu.memory_space<hbm>>
      %dma_wait3A_307 = arith.constant 0 : i32
      %dma_wait3A_308 = arith.constant 0 : i32
      %dma_wait3A_309 = tpu.memref_slice %arg2[%select_n3A, %dma_wait3A_307, %dma_wait3A_308] : memref<4356x2x128xf32, #tpu.memory_space<hbm>> -> memref<1x2x128xf32, #tpu.memory_space<hbm>>
      tpu.wait_dma2 semaphore(%run_scoped3A : memref<!tpu.dma_semaphore, #tpu.memory_space<semaphore_mem>>) src(%dma_wait3A_309 : memref<1x2x128xf32, #tpu.memory_space<hbm>>) dst(%arg7 : memref<1x2x128xf32, #tpu.memory_space<vmem>>)
      tpu.yield
    }) : () -> ()
    %broadcast_in_dim3A_18 = vector.broadcast %add3A : i32 to vector<16xi32>
    %ge3A_19 = arith.constant 28 : i32
    %ge3A_20 = vector.broadcast %ge3A_19 : i32 to vector<16xi32>
    %ge3A_21 = arith.cmpi sge, %broadcast_in_dim3A_18, %ge3A_20 : vector<16xi32>
    %get3A_22 = arith.constant 0 : i32
    %get3A_23 = arith.constant 0 : i32
    %get3A_24 = arith.index_cast %get3A_22 : i32 to index
    %get3A_25 = arith.index_cast %get3A_23 : i32 to index
    %get3A_26 = arith.constant 0 : index
    %get3A_27 = tpu.vector_load %arg7[%get3A_24, %get3A_25, %get3A_26] {strides = array<i32>} : memref<1x2x128xf32, #tpu.memory_space<vmem>>, vector<16xf32>,
    %get3A_28 = arith.constant 0 : i32
    %get3A_29 = arith.constant 1 : i32
    %get3A_30 = arith.index_cast %get3A_28 : i32 to index
    %get3A_31 = arith.index_cast %get3A_29 : i32 to index
    %get3A_32 = arith.constant 0 : index
    %get3A_33 = tpu.vector_load %arg7[%get3A_30, %get3A_31, %get3A_32] {strides = array<i32>} : memref<1x2x128xf32, #tpu.memory_space<vmem>>, vector<16xf32>,
    %sub3A_34 = arith.subf %get3A_33, %get3A_27 : vector<16xf32>
    %mul3A_35 = arith.mulf %sub3A_34, %get3A_6 : vector<16xf32>
    %abs3A = math.absf %mul3A_35 : vector<16xf32>
    %le3A = arith.cmpf ole, %abs3A, %broadcast_in_dim3A_11 : vector<16xf32>
    %select_n3A_36 = arith.select %le3A, %mul3A_35, %broadcast_in_dim3A_9 : vector<16xi1>, vector<16xf32>
    %select_n3A_37 = arith.select %ge3A_21, %select_n3A_36, %broadcast_in_dim3A_9 : vector<16xi1>, vector<16xf32>
    %add3A_38 = arith.addf %parallel_loop3A_14#0, %select_n3A_37 : vector<16xf32>
    %select_n3A_39 = arith.select %ge3A_21, %select_n3A_36, %broadcast_in_dim3A_7 : vector<16xi1>, vector<16xf32>
    %min3A = arith.minimumf %parallel_loop3A_14#1, %select_n3A_39 : vector<16xf32>
    %max3A_40 = arith.maximumf %parallel_loop3A_14#2, %min3A : vector<16xf32>
    %max3A_41 = arith.maximumf %parallel_loop3A_14#1, %select_n3A_39 : vector<16xf32>
    %get3A_42 = arith.constant 0 : i32
    %get3A_43 = arith.constant 0 : i32
    %get3A_44 = arith.index_cast %get3A_42 : i32 to index
    %get3A_45 = arith.index_cast %get3A_43 : i32 to index
    %get3A_46 = arith.constant 16 : index
    %get3A_47 = tpu.vector_load %arg7[%get3A_44, %get3A_45, %get3A_46] {strides = array<i32>} : memref<1x2x128xf32, #tpu.memory_space<vmem>>, vector<16xf32>,
    %get3A_48 = arith.constant 0 : i32
    %get3A_49 = arith.constant 1 : i32
    %get3A_50 = arith.index_cast %get3A_48 : i32 to index
    %get3A_51 = arith.index_cast %get3A_49 : i32 to index
    %get3A_52 = arith.constant 16 : index
    %get3A_53 = tpu.vector_load %arg7[%get3A_50, %get3A_51, %get3A_52] {strides = array<i32>} : memref<1x2x128xf32, #tpu.memory_space<vmem>>, vector<16xf32>,
    %sub3A_54 = arith.subf %get3A_53, %get3A_47 : vector<16xf32>
    %mul3A_55 = arith.mulf %sub3A_54, %get3A_6 : vector<16xf32>
    %abs3A_56 = math.absf %mul3A_55 : vector<16xf32>
    %le3A_57 = arith.cmpf ole, %abs3A_56, %broadcast_in_dim3A_11 : vector<16xf32>
    %select_n3A_58 = arith.select %le3A_57, %mul3A_55, %broadcast_in_dim3A_9 : vector<16xi1>, vector<16xf32>
    %select_n3A_59 = arith.select %ge3A_21, %select_n3A_58, %broadcast_in_dim3A_9 : vector<16xi1>, vector<16xf32>
    %add3A_60 = arith.addf %add3A_38, %select_n3A_59 : vector<16xf32>
    %select_n3A_61 = arith.select %ge3A_21, %select_n3A_58, %broadcast_in_dim3A_7 : vector<16xi1>, vector<16xf32>
    %min3A_62 = arith.minimumf %max3A_41, %select_n3A_61 : vector<16xf32>
    %max3A_63 = arith.maximumf %max3A_40, %min3A_62 : vector<16xf32>
    %max3A_64 = arith.maximumf %max3A_41, %select_n3A_61 : vector<16xf32>
    %get3A_65 = arith.constant 0 : i32
    %get3A_66 = arith.constant 0 : i32
    %get3A_67 = arith.index_cast %get3A_65 : i32 to index
    %get3A_68 = arith.index_cast %get3A_66 : i32 to index
    %get3A_69 = arith.constant 32 : index
    %get3A_70 = tpu.vector_load %arg7[%get3A_67, %get3A_68, %get3A_69] {strides = array<i32>} : memref<1x2x128xf32, #tpu.memory_space<vmem>>, vector<16xf32>,
    %get3A_71 = arith.constant 0 : i32
    %get3A_72 = arith.constant 1 : i32
    %get3A_73 = arith.index_cast %get3A_71 : i32 to index
    %get3A_74 = arith.index_cast %get3A_72 : i32 to index
    %get3A_75 = arith.constant 32 : index
    %get3A_76 = tpu.vector_load %arg7[%get3A_73, %get3A_74, %get3A_75] {strides = array<i32>} : memref<1x2x128xf32, #tpu.memory_space<vmem>>, vector<16xf32>,
    %sub3A_77 = arith.subf %get3A_76, %get3A_70 : vector<16xf32>
    %mul3A_78 = arith.mulf %sub3A_77, %get3A_6 : vector<16xf32>
    %abs3A_79 = math.absf %mul3A_78 : vector<16xf32>
    %le3A_80 = arith.cmpf ole, %abs3A_79, %broadcast_in_dim3A_11 : vector<16xf32>
    %select_n3A_81 = arith.select %le3A_80, %mul3A_78, %broadcast_in_dim3A_9 : vector<16xi1>, vector<16xf32>
    %select_n3A_82 = arith.select %ge3A_21, %select_n3A_81, %broadcast_in_dim3A_9 : vector<16xi1>, vector<16xf32>
    %add3A_83 = arith.addf %add3A_60, %select_n3A_82 : vector<16xf32>
    %select_n3A_84 = arith.select %ge3A_21, %select_n3A_81, %broadcast_in_dim3A_7 : vector<16xi1>, vector<16xf32>
    %min3A_85 = arith.minimumf %max3A_64, %select_n3A_84 : vector<16xf32>
    %max3A_86 = arith.maximumf %max3A_63, %min3A_85 : vector<16xf32>
    %max3A_87 = arith.maximumf %max3A_64, %select_n3A_84 : vector<16xf32>
    %get3A_88 = arith.constant 0 : i32
    %get3A_89 = arith.constant 0 : i32
    %get3A_90 = arith.index_cast %get3A_88 : i32 to index
    %get3A_91 = arith.index_cast %get3A_89 : i32 to index
    %get3A_92 = arith.constant 48 : index
    %get3A_93 = tpu.vector_load %arg7[%get3A_90, %get3A_91, %get3A_92] {strides = array<i32>} : memref<1x2x128xf32, #tpu.memory_space<vmem>>, vector<16xf32>,
    %get3A_94 = arith.constant 0 : i32
    %get3A_95 = arith.constant 1 : i32
    %get3A_96 = arith.index_cast %get3A_94 : i32 to index
    %get3A_97 = arith.index_cast %get3A_95 : i32 to index
    %get3A_98 = arith.constant 48 : index
    %get3A_99 = tpu.vector_load %arg7[%get3A_96, %get3A_97, %get3A_98] {strides = array<i32>} : memref<1x2x128xf32, #tpu.memory_space<vmem>>, vector<16xf32>,
    %sub3A_100 = arith.subf %get3A_99, %get3A_93 : vector<16xf32>
    %mul3A_101 = arith.mulf %sub3A_100, %get3A_6 : vector<16xf32>
    %abs3A_102 = math.absf %mul3A_101 : vector<16xf32>
    %le3A_103 = arith.cmpf ole, %abs3A_102, %broadcast_in_dim3A_11 : vector<16xf32>
    %select_n3A_104 = arith.select %le3A_103, %mul3A_101, %broadcast_in_dim3A_9 : vector<16xi1>, vector<16xf32>
    %select_n3A_105 = arith.select %ge3A_21, %select_n3A_104, %broadcast_in_dim3A_9 : vector<16xi1>, vector<16xf32>
    %add3A_106 = arith.addf %add3A_83, %select_n3A_105 : vector<16xf32>
    %select_n3A_107 = arith.select %ge3A_21, %select_n3A_104, %broadcast_in_dim3A_7 : vector<16xi1>, vector<16xf32>
    %min3A_108 = arith.minimumf %max3A_87, %select_n3A_107 : vector<16xf32>
    %max3A_109 = arith.maximumf %max3A_86, %min3A_108 : vector<16xf32>
    %max3A_110 = arith.maximumf %max3A_87, %select_n3A_107 : vector<16xf32>
    %get3A_111 = arith.constant 0 : i32
    %get3A_112 = arith.constant 0 : i32
    %get3A_113 = arith.index_cast %get3A_111 : i32 to index
    %get3A_114 = arith.index_cast %get3A_112 : i32 to index
    %get3A_115 = arith.constant 64 : index
    %get3A_116 = tpu.vector_load %arg7[%get3A_113, %get3A_114, %get3A_115] {strides = array<i32>} : memref<1x2x128xf32, #tpu.memory_space<vmem>>, vector<16xf32>,
    %get3A_117 = arith.constant 0 : i32
    %get3A_118 = arith.constant 1 : i32
    %get3A_119 = arith.index_cast %get3A_117 : i32 to index
    %get3A_120 = arith.index_cast %get3A_118 : i32 to index
    %get3A_121 = arith.constant 64 : index
    %get3A_122 = tpu.vector_load %arg7[%get3A_119, %get3A_120, %get3A_121] {strides = array<i32>} : memref<1x2x128xf32, #tpu.memory_space<vmem>>, vector<16xf32>,
    %sub3A_123 = arith.subf %get3A_122, %get3A_116 : vector<16xf32>
    %mul3A_124 = arith.mulf %sub3A_123, %get3A_6 : vector<16xf32>
    %abs3A_125 = math.absf %mul3A_124 : vector<16xf32>
    %le3A_126 = arith.cmpf ole, %abs3A_125, %broadcast_in_dim3A_11 : vector<16xf32>
    %select_n3A_127 = arith.select %le3A_126, %mul3A_124, %broadcast_in_dim3A_9 : vector<16xi1>, vector<16xf32>
    %select_n3A_128 = arith.select %ge3A_21, %select_n3A_127, %broadcast_in_dim3A_9 : vector<16xi1>, vector<16xf32>
    %add3A_129 = arith.addf %add3A_106, %select_n3A_128 : vector<16xf32>
    %select_n3A_130 = arith.select %ge3A_21, %select_n3A_127, %broadcast_in_dim3A_7 : vector<16xi1>, vector<16xf32>
    %min3A_131 = arith.minimumf %max3A_110, %select_n3A_130 : vector<16xf32>
    %max3A_132 = arith.maximumf %max3A_109, %min3A_131 : vector<16xf32>
    %max3A_133 = arith.maximumf %max3A_110, %select_n3A_130 : vector<16xf32>
    %get3A_134 = arith.constant 0 : i32
    %get3A_135 = arith.constant 0 : i32
    %get3A_136 = arith.index_cast %get3A_134 : i32 to index
    %get3A_137 = arith.index_cast %get3A_135 : i32 to index
    %get3A_138 = arith.constant 80 : index
    %get3A_139 = tpu.vector_load %arg7[%get3A_136, %get3A_137, %get3A_138] {strides = array<i32>} : memref<1x2x128xf32, #tpu.memory_space<vmem>>, vector<16xf32>,
    %get3A_140 = arith.constant 0 : i32
    %get3A_141 = arith.constant 1 : i32
    %get3A_142 = arith.index_cast %get3A_140 : i32 to index
    %get3A_143 = arith.index_cast %get3A_141 : i32 to index
    %get3A_144 = arith.constant 80 : index
    %get3A_145 = tpu.vector_load %arg7[%get3A_142, %get3A_143, %get3A_144] {strides = array<i32>} : memref<1x2x128xf32, #tpu.memory_space<vmem>>, vector<16xf32>,
    %sub3A_146 = arith.subf %get3A_145, %get3A_139 : vector<16xf32>
    %mul3A_147 = arith.mulf %sub3A_146, %get3A_6 : vector<16xf32>
    %abs3A_148 = math.absf %mul3A_147 : vector<16xf32>
    %le3A_149 = arith.cmpf ole, %abs3A_148, %broadcast_in_dim3A_11 : vector<16xf32>
    %select_n3A_150 = arith.select %le3A_149, %mul3A_147, %broadcast_in_dim3A_9 : vector<16xi1>, vector<16xf32>
    %select_n3A_151 = arith.select %ge3A_21, %select_n3A_150, %broadcast_in_dim3A_9 : vector<16xi1>, vector<16xf32>
    %add3A_152 = arith.addf %add3A_129, %select_n3A_151 : vector<16xf32>
    %select_n3A_153 = arith.select %ge3A_21, %select_n3A_150, %broadcast_in_dim3A_7 : vector<16xi1>, vector<16xf32>
    %min3A_154 = arith.minimumf %max3A_133, %select_n3A_153 : vector<16xf32>
    %max3A_155 = arith.maximumf %max3A_132, %min3A_154 : vector<16xf32>
    %max3A_156 = arith.maximumf %max3A_133, %select_n3A_153 : vector<16xf32>
    %get3A_157 = arith.constant 0 : i32
    %get3A_158 = arith.constant 0 : i32
    %get3A_159 = arith.index_cast %get3A_157 : i32 to index
    %get3A_160 = arith.index_cast %get3A_158 : i32 to index
    %get3A_161 = arith.constant 96 : index
    %get3A_162 = tpu.vector_load %arg7[%get3A_159, %get3A_160, %get3A_161] {strides = array<i32>} : memref<1x2x128xf32, #tpu.memory_space<vmem>>, vector<16xf32>,
    %get3A_163 = arith.constant 0 : i32
    %get3A_164 = arith.constant 1 : i32
    %get3A_165 = arith.index_cast %get3A_163 : i32 to index
    %get3A_166 = arith.index_cast %get3A_164 : i32 to index
    %get3A_167 = arith.constant 96 : index
    %get3A_168 = tpu.vector_load %arg7[%get3A_165, %get3A_166, %get3A_167] {strides = array<i32>} : memref<1x2x128xf32, #tpu.memory_space<vmem>>, vector<16xf32>,
    %sub3A_169 = arith.subf %get3A_168, %get3A_162 : vector<16xf32>
    %mul3A_170 = arith.mulf %sub3A_169, %get3A_6 : vector<16xf32>
    %abs3A_171 = math.absf %mul3A_170 : vector<16xf32>
    %le3A_172 = arith.cmpf ole, %abs3A_171, %broadcast_in_dim3A_11 : vector<16xf32>
    %select_n3A_173 = arith.select %le3A_172, %mul3A_170, %broadcast_in_dim3A_9 : vector<16xi1>, vector<16xf32>
    %select_n3A_174 = arith.select %ge3A_21, %select_n3A_173, %broadcast_in_dim3A_9 : vector<16xi1>, vector<16xf32>
    %add3A_175 = arith.addf %add3A_152, %select_n3A_174 : vector<16xf32>
    %select_n3A_176 = arith.select %ge3A_21, %select_n3A_173, %broadcast_in_dim3A_7 : vector<16xi1>, vector<16xf32>
    %min3A_177 = arith.minimumf %max3A_156, %select_n3A_176 : vector<16xf32>
    %max3A_178 = arith.maximumf %max3A_155, %min3A_177 : vector<16xf32>
    %max3A_179 = arith.maximumf %max3A_156, %select_n3A_176 : vector<16xf32>
    %get3A_180 = arith.constant 0 : i32
    %get3A_181 = arith.constant 0 : i32
    %get3A_182 = arith.index_cast %get3A_180 : i32 to index
    %get3A_183 = arith.index_cast %get3A_181 : i32 to index
    %get3A_184 = arith.constant 112 : index
    %get3A_185 = tpu.vector_load %arg7[%get3A_182, %get3A_183, %get3A_184] {strides = array<i32>} : memref<1x2x128xf32, #tpu.memory_space<vmem>>, vector<16xf32>,
    %get3A_186 = arith.constant 0 : i32
    %get3A_187 = arith.constant 1 : i32
    %get3A_188 = arith.index_cast %get3A_186 : i32 to index
    %get3A_189 = arith.index_cast %get3A_187 : i32 to index
    %get3A_190 = arith.constant 112 : index
    %get3A_191 = tpu.vector_load %arg7[%get3A_188, %get3A_189, %get3A_190] {strides = array<i32>} : memref<1x2x128xf32, #tpu.memory_space<vmem>>, vector<16xf32>,
    %sub3A_192 = arith.subf %get3A_191, %get3A_185 : vector<16xf32>
    %mul3A_193 = arith.mulf %sub3A_192, %get3A_6 : vector<16xf32>
    %abs3A_194 = math.absf %mul3A_193 : vector<16xf32>
    %le3A_195 = arith.cmpf ole, %abs3A_194, %broadcast_in_dim3A_11 : vector<16xf32>
    %select_n3A_196 = arith.select %le3A_195, %mul3A_193, %broadcast_in_dim3A_9 : vector<16xi1>, vector<16xf32>
    %select_n3A_197 = arith.select %ge3A_21, %select_n3A_196, %broadcast_in_dim3A_9 : vector<16xi1>, vector<16xf32>
    %add3A_198 = arith.addf %add3A_175, %select_n3A_197 : vector<16xf32>
    %select_n3A_199 = arith.select %ge3A_21, %select_n3A_196, %broadcast_in_dim3A_7 : vector<16xi1>, vector<16xf32>
    %min3A_200 = arith.minimumf %max3A_179, %select_n3A_199 : vector<16xf32>
    %max3A_201 = arith.maximumf %max3A_178, %min3A_200 : vector<16xf32>
    %max3A_202 = arith.maximumf %max3A_179, %select_n3A_199 : vector<16xf32>
    "tpu.region"() ({
      %run_scoped3A = tpu.sem_alloc : memref<!tpu.dma_semaphore, #tpu.memory_space<semaphore_mem>>
      tpu.enqueue_dma source(%arg3 : memref<128xf32, #tpu.memory_space<hbm>>) target(%arg8 : memref<128xf32, #tpu.memory_space<vmem>>) target_semaphore(%run_scoped3A : memref<!tpu.dma_semaphore, #tpu.memory_space<semaphore_mem>>)
      tpu.wait_dma2 semaphore(%run_scoped3A : memref<!tpu.dma_semaphore, #tpu.memory_space<semaphore_mem>>) src(%arg3 : memref<128xf32, #tpu.memory_space<hbm>>) dst(%arg8 : memref<128xf32, #tpu.memory_space<vmem>>)
      tpu.yield
    }) : () -> ()
    %broadcast_in_dim3A_203 = vector.broadcast %add3A : i32 to vector<16xi32>
    %eq3A = arith.constant 0 : i32
    %eq3A_204 = vector.broadcast %eq3A : i32 to vector<16xi32>
    %eq3A_205 = arith.cmpi eq, %broadcast_in_dim3A_203, %eq3A_204 : vector<16xi32>
    %iota3A = tpu.iota {dimensions = array<i32: 0>} : vector<16xi32>
    %mul3A_206 = arith.constant 2 : i32
    %mul3A_207 = vector.broadcast %mul3A_206 : i32 to vector<16xi32>
    %mul3A_208 = arith.muli %mul3A_207, %iota3A : vector<16xi32>
    %add3A_209 = arith.constant 0 : i32
    %add3A_210 = vector.broadcast %add3A_209 : i32 to vector<16xi32>
    %add3A_211 = arith.addi %add3A_210, %mul3A_208 : vector<16xi32>
    %gather3A = tpu.vector_load_idx %arg8[%add3A_211] : memref<128xf32, #tpu.memory_space<vmem>>[vector<16xi32>], vector<16xf32>,
    %add3A_212 = arith.constant 1 : i32
    %add3A_213 = vector.broadcast %add3A_212 : i32 to vector<16xi32>
    %add3A_214 = arith.addi %add3A_211, %add3A_213 : vector<16xi32>
    %gather3A_215 = tpu.vector_load_idx %arg8[%add3A_214] : memref<128xf32, #tpu.memory_space<vmem>>[vector<16xi32>], vector<16xf32>,
    %sub3A_216 = arith.subf %gather3A_215, %gather3A : vector<16xf32>
    %mul3A_217 = arith.mulf %sub3A_216, %get3A_6 : vector<16xf32>
    %abs3A_218 = math.absf %mul3A_217 : vector<16xf32>
    %le3A_219 = arith.cmpf ole, %abs3A_218, %broadcast_in_dim3A_11 : vector<16xf32>
    %select_n3A_220 = arith.select %le3A_219, %mul3A_217, %broadcast_in_dim3A_9 : vector<16xi1>, vector<16xf32>
    %select_n3A_221 = arith.select %eq3A_205, %select_n3A_220, %broadcast_in_dim3A_9 : vector<16xi1>, vector<16xf32>
    %add3A_222 = arith.addf %add3A_198, %select_n3A_221 : vector<16xf32>
    %select_n3A_223 = arith.select %eq3A_205, %select_n3A_220, %broadcast_in_dim3A_7 : vector<16xi1>, vector<16xf32>
    %min3A_224 = arith.minimumf %max3A_202, %select_n3A_223 : vector<16xf32>
    %max3A_225 = arith.maximumf %max3A_201, %min3A_224 : vector<16xf32>
    %max3A_226 = arith.maximumf %max3A_202, %select_n3A_223 : vector<16xf32>
    %mul3A_227 = arith.constant 2 : i32
    %mul3A_228 = vector.broadcast %mul3A_227 : i32 to vector<16xi32>
    %mul3A_229 = arith.muli %mul3A_228, %iota3A : vector<16xi32>
    %add3A_230 = arith.constant 32 : i32
    %add3A_231 = vector.broadcast %add3A_230 : i32 to vector<16xi32>
    %add3A_232 = arith.addi %add3A_231, %mul3A_229 : vector<16xi32>
    %gather3A_233 = tpu.vector_load_idx %arg8[%add3A_232] : memref<128xf32, #tpu.memory_space<vmem>>[vector<16xi32>], vector<16xf32>,
    %add3A_234 = arith.constant 1 : i32
    %add3A_235 = vector.broadcast %add3A_234 : i32 to vector<16xi32>
    %add3A_236 = arith.addi %add3A_232, %add3A_235 : vector<16xi32>
    %gather3A_237 = tpu.vector_load_idx %arg8[%add3A_236] : memref<128xf32, #tpu.memory_space<vmem>>[vector<16xi32>], vector<16xf32>,
    %sub3A_238 = arith.subf %gather3A_237, %gather3A_233 : vector<16xf32>
    %mul3A_239 = arith.mulf %sub3A_238, %get3A_6 : vector<16xf32>
    %abs3A_240 = math.absf %mul3A_239 : vector<16xf32>
    %le3A_241 = arith.cmpf ole, %abs3A_240, %broadcast_in_dim3A_11 : vector<16xf32>
    %select_n3A_242 = arith.select %le3A_241, %mul3A_239, %broadcast_in_dim3A_9 : vector<16xi1>, vector<16xf32>
    %select_n3A_243 = arith.select %eq3A_205, %select_n3A_242, %broadcast_in_dim3A_9 : vector<16xi1>, vector<16xf32>
    %add3A_244 = arith.addf %add3A_222, %select_n3A_243 : vector<16xf32>
    %select_n3A_245 = arith.select %eq3A_205, %select_n3A_242, %broadcast_in_dim3A_7 : vector<16xi1>, vector<16xf32>
    %min3A_246 = arith.minimumf %max3A_226, %select_n3A_245 : vector<16xf32>
    %max3A_247 = arith.maximumf %max3A_225, %min3A_246 : vector<16xf32>
    %max3A_248 = arith.maximumf %max3A_226, %select_n3A_245 : vector<16xf32>
    %mul3A_249 = arith.constant 2 : i32
    %mul3A_250 = vector.broadcast %mul3A_249 : i32 to vector<16xi32>
    %mul3A_251 = arith.muli %mul3A_250, %iota3A : vector<16xi32>
    %add3A_252 = arith.constant 64 : i32
    %add3A_253 = vector.broadcast %add3A_252 : i32 to vector<16xi32>
    %add3A_254 = arith.addi %add3A_253, %mul3A_251 : vector<16xi32>
    %gather3A_255 = tpu.vector_load_idx %arg8[%add3A_254] : memref<128xf32, #tpu.memory_space<vmem>>[vector<16xi32>], vector<16xf32>,
    %add3A_256 = arith.constant 1 : i32
    %add3A_257 = vector.broadcast %add3A_256 : i32 to vector<16xi32>
    %add3A_258 = arith.addi %add3A_254, %add3A_257 : vector<16xi32>
    %gather3A_259 = tpu.vector_load_idx %arg8[%add3A_258] : memref<128xf32, #tpu.memory_space<vmem>>[vector<16xi32>], vector<16xf32>,
    %sub3A_260 = arith.subf %gather3A_259, %gather3A_255 : vector<16xf32>
    %mul3A_261 = arith.mulf %sub3A_260, %get3A_6 : vector<16xf32>
    %abs3A_262 = math.absf %mul3A_261 : vector<16xf32>
    %le3A_263 = arith.cmpf ole, %abs3A_262, %broadcast_in_dim3A_11 : vector<16xf32>
    %select_n3A_264 = arith.select %le3A_263, %mul3A_261, %broadcast_in_dim3A_9 : vector<16xi1>, vector<16xf32>
    %select_n3A_265 = arith.select %eq3A_205, %select_n3A_264, %broadcast_in_dim3A_9 : vector<16xi1>, vector<16xf32>
    %add3A_266 = arith.addf %add3A_244, %select_n3A_265 : vector<16xf32>
    %select_n3A_267 = arith.select %eq3A_205, %select_n3A_264, %broadcast_in_dim3A_7 : vector<16xi1>, vector<16xf32>
    %min3A_268 = arith.minimumf %max3A_248, %select_n3A_267 : vector<16xf32>
    %max3A_269 = arith.maximumf %max3A_247, %min3A_268 : vector<16xf32>
    %max3A_270 = arith.maximumf %max3A_248, %select_n3A_267 : vector<16xf32>
    %mul3A_271 = arith.constant 2 : i32
    %mul3A_272 = vector.broadcast %mul3A_271 : i32 to vector<16xi32>
    %mul3A_273 = arith.muli %mul3A_272, %iota3A : vector<16xi32>
    %add3A_274 = arith.constant 96 : i32
    %add3A_275 = vector.broadcast %add3A_274 : i32 to vector<16xi32>
    %add3A_276 = arith.addi %add3A_275, %mul3A_273 : vector<16xi32>
    %gather3A_277 = tpu.vector_load_idx %arg8[%add3A_276] : memref<128xf32, #tpu.memory_space<vmem>>[vector<16xi32>], vector<16xf32>,
    %add3A_278 = arith.constant 1 : i32
    %add3A_279 = vector.broadcast %add3A_278 : i32 to vector<16xi32>
    %add3A_280 = arith.addi %add3A_276, %add3A_279 : vector<16xi32>
    %gather3A_281 = tpu.vector_load_idx %arg8[%add3A_280] : memref<128xf32, #tpu.memory_space<vmem>>[vector<16xi32>], vector<16xf32>,
    %sub3A_282 = arith.subf %gather3A_281, %gather3A_277 : vector<16xf32>
    %mul3A_283 = arith.mulf %sub3A_282, %get3A_6 : vector<16xf32>
    %abs3A_284 = math.absf %mul3A_283 : vector<16xf32>
    %le3A_285 = arith.cmpf ole, %abs3A_284, %broadcast_in_dim3A_11 : vector<16xf32>
    %select_n3A_286 = arith.select %le3A_285, %mul3A_283, %broadcast_in_dim3A_9 : vector<16xi1>, vector<16xf32>
    %select_n3A_287 = arith.select %eq3A_205, %select_n3A_286, %broadcast_in_dim3A_9 : vector<16xi1>, vector<16xf32>
    %add3A_288 = arith.addf %add3A_266, %select_n3A_287 : vector<16xf32>
    %select_n3A_289 = arith.select %eq3A_205, %select_n3A_286, %broadcast_in_dim3A_7 : vector<16xi1>, vector<16xf32>
    %min3A_290 = arith.minimumf %max3A_270, %select_n3A_289 : vector<16xf32>
    %max3A_291 = arith.maximumf %max3A_269, %min3A_290 : vector<16xf32>
    %max3A_292 = arith.maximumf %max3A_270, %select_n3A_289 : vector<16xf32>
    %swap3A = arith.constant 0 : index
    %swap3A_293 = tpu.vector_load %arg10[%swap3A] {strides = array<i32>} : memref<48xf32, #tpu.memory_space<vmem>>, vector<16xf32>,
    tpu.vector_store %arg10[%swap3A], %add3A_288 {strides = array<i32>} : memref<48xf32, #tpu.memory_space<vmem>>, vector<16xf32>,
    %swap3A_294 = arith.constant 16 : index
    %swap3A_295 = tpu.vector_load %arg10[%swap3A_294] {strides = array<i32>} : memref<48xf32, #tpu.memory_space<vmem>>, vector<16xf32>,
    tpu.vector_store %arg10[%swap3A_294], %max3A_292 {strides = array<i32>} : memref<48xf32, #tpu.memory_space<vmem>>, vector<16xf32>,
    %swap3A_296 = arith.constant 32 : index
    %swap3A_297 = tpu.vector_load %arg10[%swap3A_296] {strides = array<i32>} : memref<48xf32, #tpu.memory_space<vmem>>, vector<16xf32>,
    tpu.vector_store %arg10[%swap3A_296], %max3A_291 {strides = array<i32>} : memref<48xf32, #tpu.memory_space<vmem>>, vector<16xf32>,
    %mul3A_298 = arith.constant 48 : i32
    %mul3A_299 = arith.muli %add3A, %mul3A_298 : i32
    "tpu.region"() ({
      %run_scoped3A = tpu.sem_alloc : memref<!tpu.dma_semaphore, #tpu.memory_space<semaphore_mem>>
      %dma_start3A = tpu.memref_slice %arg5[%mul3A_299] : memref<1536xf32, #tpu.memory_space<hbm>> -> memref<48xf32, #tpu.memory_space<hbm>>
      %dma_start3A_300 = tpu.memref_slice %arg5[%mul3A_299] : memref<1536xf32, #tpu.memory_space<hbm>> -> memref<48xf32, #tpu.memory_space<hbm>>
      tpu.enqueue_dma source(%arg10 : memref<48xf32, #tpu.memory_space<vmem>>) target(%dma_start3A_300 : memref<48xf32, #tpu.memory_space<hbm>>) target_semaphore(%run_scoped3A : memref<!tpu.dma_semaphore, #tpu.memory_space<semaphore_mem>>)
      %dma_wait3A = tpu.memref_slice %arg5[%mul3A_299] : memref<1536xf32, #tpu.memory_space<hbm>> -> memref<48xf32, #tpu.memory_space<hbm>>
      %dma_wait3A_301 = tpu.memref_slice %arg5[%mul3A_299] : memref<1536xf32, #tpu.memory_space<hbm>> -> memref<48xf32, #tpu.memory_space<hbm>>
      tpu.wait_dma2 semaphore(%run_scoped3A : memref<!tpu.dma_semaphore, #tpu.memory_space<semaphore_mem>>) src(%arg10 : memref<48xf32, #tpu.memory_space<vmem>>) dst(%dma_wait3A_301 : memref<48xf32, #tpu.memory_space<hbm>>)
      tpu.yield
    }) : () -> ()
    return
  }
}

module attributes {stable_mosaic.version = 14 : i64} {
  func.func @_tc_combine_body(%arg0: memref<12x128xf32, #tpu.memory_space<vmem>>, %arg1: memref<12x128xf32, #tpu.memory_space<vmem>>, %arg2: memref<1xi32, #tpu.memory_space<smem>>, %arg3: memref<1x1xf32, #tpu.memory_space<smem>>) attributes {dimension_semantics = [], scalar_prefetch = 0 : i64, scratch_operands = 0 : i64, tpu.core_type = #tpu.core_type<tc>} {
    %get3A = arith.constant 0 : index
    %get3A_0 = arith.constant 0 : index
    %get3A_1 = vector.load %arg0[%get3A, %get3A_0] : memref<12x128xf32, #tpu.memory_space<vmem>>, vector<12x128xf32>
    %get3A_2 = arith.constant 0 : index
    %get3A_3 = arith.constant 0 : index
    %get3A_4 = vector.load %arg1[%get3A_2, %get3A_3] : memref<12x128xf32, #tpu.memory_space<vmem>>, vector<12x128xf32>
    %concatenate3A = tpu.concatenate %get3A_1, %get3A_4 in 0 : vector<12x128xf32>, vector<12x128xf32> -> vector<24x128xf32>
    %iota3A = tpu.iota {dimensions = array<i32: 0>} : vector<24x128xi32>
    %iota3A_5 = tpu.iota {dimensions = array<i32: 1>} : vector<24x128xi32>
    %mul3A = arith.constant 128 : i32
    %mul3A_6 = vector.broadcast %mul3A : i32 to vector<24x128xi32>
    %mul3A_7 = arith.muli %iota3A, %mul3A_6 : vector<24x128xi32>
    %add3A = arith.addi %mul3A_7, %iota3A_5 : vector<24x128xi32>
    %jit3A = arith.constant 48 : i32
    %eq3A = arith.constant 0 : i32
    %eq3A_8 = arith.cmpi eq, %jit3A, %eq3A : i32
    %jit3A_9 = arith.constant 1 : i32
    %select_n3A = arith.select %eq3A_8, %jit3A_9, %jit3A : i32
    %rem3A = vector.broadcast %select_n3A : i32 to vector<24x128xi32>
    %rem3A_10 = arith.remsi %add3A, %rem3A : vector<24x128xi32>
    %ne3A = arith.constant 0 : i32
    %ne3A_11 = vector.broadcast %ne3A : i32 to vector<24x128xi32>
    %ne3A_12 = arith.cmpi ne, %rem3A_10, %ne3A_11 : vector<24x128xi32>
    %lt3A = arith.constant 0 : i32
    %lt3A_13 = vector.broadcast %lt3A : i32 to vector<24x128xi32>
    %lt3A_14 = arith.cmpi slt, %rem3A_10, %lt3A_13 : vector<24x128xi32>
    %lt3A_15 = arith.constant 0 : i32
    %lt3A_16 = arith.cmpi slt, %select_n3A, %lt3A_15 : i32
    %ne3A_17 = vector.broadcast %lt3A_16 : i1 to vector<24x128xi1>
    %ne3A_18 = vector.broadcast %ne3A_17 : vector<24x128xi1> to vector<24x128xi1>
    %ne3A_19 = arith.xori %lt3A_14, %ne3A_18 : vector<24x128xi1>
    %and3A = arith.andi %ne3A_19, %ne3A_12 : vector<24x128xi1>
    %add3A_20 = vector.broadcast %select_n3A : i32 to vector<24x128xi32>
    %add3A_21 = arith.addi %rem3A_10, %add3A_20 : vector<24x128xi32>
    %select_n3A_22 = arith.select %and3A, %add3A_21, %rem3A_10 : vector<24x128xi1>, vector<24x128xi32>
    %lt3A_23 = arith.constant 16 : i32
    %lt3A_24 = vector.broadcast %lt3A_23 : i32 to vector<24x128xi32>
    %lt3A_25 = arith.cmpi slt, %select_n3A_22, %lt3A_24 : vector<24x128xi32>
    %jit3A_26 = arith.constant 0.000000e+00 : f32
    %broadcast_in_dim3A = vector.broadcast %jit3A_26 : f32 to vector<24x128xf32>
    %select_n3A_27 = arith.select %lt3A_25, %concatenate3A, %broadcast_in_dim3A : vector<24x128xi1>, vector<24x128xf32>
    %reduce_sum3A = vector.shape_cast %select_n3A_27 : vector<24x128xf32> to vector<1x24x128xf32>
    %reduce_sum3A_28 = arith.constant dense<0.000000e+00> : vector<1xf32>
    %reduce_sum3A_29 = vector.multi_reduction <add>, %reduce_sum3A, %reduce_sum3A_28 [1, 2] : vector<1x24x128xf32> to vector<1xf32>
    %reduce_sum3A_30 = vector.shape_cast %reduce_sum3A_29 : vector<1xf32> to vector<1x1x1xf32>
    %reduce_sum3A_31 = vector.extract %reduce_sum3A_30[0, 0, 0] : f32 from vector<1x1x1xf32>
    %jit3A_32 = arith.constant 0xFF800000 : f32
    %broadcast_in_dim3A_33 = vector.broadcast %jit3A_32 : f32 to vector<24x128xf32>
    %select_n3A_34 = arith.select %lt3A_25, %broadcast_in_dim3A_33, %concatenate3A : vector<24x128xi1>, vector<24x128xf32>
    %broadcast_in_dim3A_35 = arith.constant 0xFF800000 : f32
    %broadcast_in_dim3A_36 = vector.broadcast %broadcast_in_dim3A_35 : f32 to vector<1x128xf32>
    %slice3A = vector.extract_strided_slice %select_n3A_34 {offsets = [0, 0], sizes = [1, 128], strides = [1, 1]} : vector<24x128xf32> to vector<1x128xf32>
    %min3A = arith.minimumf %broadcast_in_dim3A_36, %slice3A : vector<1x128xf32>
    %max3A = arith.maximumf %broadcast_in_dim3A_36, %min3A : vector<1x128xf32>
    %max3A_37 = arith.maximumf %broadcast_in_dim3A_36, %slice3A : vector<1x128xf32>
    %slice3A_38 = vector.extract_strided_slice %select_n3A_34 {offsets = [1, 0], sizes = [1, 128], strides = [1, 1]} : vector<24x128xf32> to vector<1x128xf32>
    %min3A_39 = arith.minimumf %max3A_37, %slice3A_38 : vector<1x128xf32>
    %max3A_40 = arith.maximumf %max3A, %min3A_39 : vector<1x128xf32>
    %max3A_41 = arith.maximumf %max3A_37, %slice3A_38 : vector<1x128xf32>
    %slice3A_42 = vector.extract_strided_slice %select_n3A_34 {offsets = [2, 0], sizes = [1, 128], strides = [1, 1]} : vector<24x128xf32> to vector<1x128xf32>
    %min3A_43 = arith.minimumf %max3A_41, %slice3A_42 : vector<1x128xf32>
    %max3A_44 = arith.maximumf %max3A_40, %min3A_43 : vector<1x128xf32>
    %max3A_45 = arith.maximumf %max3A_41, %slice3A_42 : vector<1x128xf32>
    %slice3A_46 = vector.extract_strided_slice %select_n3A_34 {offsets = [3, 0], sizes = [1, 128], strides = [1, 1]} : vector<24x128xf32> to vector<1x128xf32>
    %min3A_47 = arith.minimumf %max3A_45, %slice3A_46 : vector<1x128xf32>
    %max3A_48 = arith.maximumf %max3A_44, %min3A_47 : vector<1x128xf32>
    %max3A_49 = arith.maximumf %max3A_45, %slice3A_46 : vector<1x128xf32>
    %slice3A_50 = vector.extract_strided_slice %select_n3A_34 {offsets = [4, 0], sizes = [1, 128], strides = [1, 1]} : vector<24x128xf32> to vector<1x128xf32>
    %min3A_51 = arith.minimumf %max3A_49, %slice3A_50 : vector<1x128xf32>
    %max3A_52 = arith.maximumf %max3A_48, %min3A_51 : vector<1x128xf32>
    %max3A_53 = arith.maximumf %max3A_49, %slice3A_50 : vector<1x128xf32>
    %slice3A_54 = vector.extract_strided_slice %select_n3A_34 {offsets = [5, 0], sizes = [1, 128], strides = [1, 1]} : vector<24x128xf32> to vector<1x128xf32>
    %min3A_55 = arith.minimumf %max3A_53, %slice3A_54 : vector<1x128xf32>
    %max3A_56 = arith.maximumf %max3A_52, %min3A_55 : vector<1x128xf32>
    %max3A_57 = arith.maximumf %max3A_53, %slice3A_54 : vector<1x128xf32>
    %slice3A_58 = vector.extract_strided_slice %select_n3A_34 {offsets = [6, 0], sizes = [1, 128], strides = [1, 1]} : vector<24x128xf32> to vector<1x128xf32>
    %min3A_59 = arith.minimumf %max3A_57, %slice3A_58 : vector<1x128xf32>
    %max3A_60 = arith.maximumf %max3A_56, %min3A_59 : vector<1x128xf32>
    %max3A_61 = arith.maximumf %max3A_57, %slice3A_58 : vector<1x128xf32>
    %slice3A_62 = vector.extract_strided_slice %select_n3A_34 {offsets = [7, 0], sizes = [1, 128], strides = [1, 1]} : vector<24x128xf32> to vector<1x128xf32>
    %min3A_63 = arith.minimumf %max3A_61, %slice3A_62 : vector<1x128xf32>
    %max3A_64 = arith.maximumf %max3A_60, %min3A_63 : vector<1x128xf32>
    %max3A_65 = arith.maximumf %max3A_61, %slice3A_62 : vector<1x128xf32>
    %slice3A_66 = vector.extract_strided_slice %select_n3A_34 {offsets = [8, 0], sizes = [1, 128], strides = [1, 1]} : vector<24x128xf32> to vector<1x128xf32>
    %min3A_67 = arith.minimumf %max3A_65, %slice3A_66 : vector<1x128xf32>
    %max3A_68 = arith.maximumf %max3A_64, %min3A_67 : vector<1x128xf32>
    %max3A_69 = arith.maximumf %max3A_65, %slice3A_66 : vector<1x128xf32>
    %slice3A_70 = vector.extract_strided_slice %select_n3A_34 {offsets = [9, 0], sizes = [1, 128], strides = [1, 1]} : vector<24x128xf32> to vector<1x128xf32>
    %min3A_71 = arith.minimumf %max3A_69, %slice3A_70 : vector<1x128xf32>
    %max3A_72 = arith.maximumf %max3A_68, %min3A_71 : vector<1x128xf32>
    %max3A_73 = arith.maximumf %max3A_69, %slice3A_70 : vector<1x128xf32>
    %slice3A_74 = vector.extract_strided_slice %select_n3A_34 {offsets = [10, 0], sizes = [1, 128], strides = [1, 1]} : vector<24x128xf32> to vector<1x128xf32>
    %min3A_75 = arith.minimumf %max3A_73, %slice3A_74 : vector<1x128xf32>
    %max3A_76 = arith.maximumf %max3A_72, %min3A_75 : vector<1x128xf32>
    %max3A_77 = arith.maximumf %max3A_73, %slice3A_74 : vector<1x128xf32>
    %slice3A_78 = vector.extract_strided_slice %select_n3A_34 {offsets = [11, 0], sizes = [1, 128], strides = [1, 1]} : vector<24x128xf32> to vector<1x128xf32>
    %min3A_79 = arith.minimumf %max3A_77, %slice3A_78 : vector<1x128xf32>
    %max3A_80 = arith.maximumf %max3A_76, %min3A_79 : vector<1x128xf32>
    %max3A_81 = arith.maximumf %max3A_77, %slice3A_78 : vector<1x128xf32>
    %slice3A_82 = vector.extract_strided_slice %select_n3A_34 {offsets = [12, 0], sizes = [1, 128], strides = [1, 1]} : vector<24x128xf32> to vector<1x128xf32>
    %min3A_83 = arith.minimumf %max3A_81, %slice3A_82 : vector<1x128xf32>
    %max3A_84 = arith.maximumf %max3A_80, %min3A_83 : vector<1x128xf32>
    %max3A_85 = arith.maximumf %max3A_81, %slice3A_82 : vector<1x128xf32>
    %slice3A_86 = vector.extract_strided_slice %select_n3A_34 {offsets = [13, 0], sizes = [1, 128], strides = [1, 1]} : vector<24x128xf32> to vector<1x128xf32>
    %min3A_87 = arith.minimumf %max3A_85, %slice3A_86 : vector<1x128xf32>
    %max3A_88 = arith.maximumf %max3A_84, %min3A_87 : vector<1x128xf32>
    %max3A_89 = arith.maximumf %max3A_85, %slice3A_86 : vector<1x128xf32>
    %slice3A_90 = vector.extract_strided_slice %select_n3A_34 {offsets = [14, 0], sizes = [1, 128], strides = [1, 1]} : vector<24x128xf32> to vector<1x128xf32>
    %min3A_91 = arith.minimumf %max3A_89, %slice3A_90 : vector<1x128xf32>
    %max3A_92 = arith.maximumf %max3A_88, %min3A_91 : vector<1x128xf32>
    %max3A_93 = arith.maximumf %max3A_89, %slice3A_90 : vector<1x128xf32>
    %slice3A_94 = vector.extract_strided_slice %select_n3A_34 {offsets = [15, 0], sizes = [1, 128], strides = [1, 1]} : vector<24x128xf32> to vector<1x128xf32>
    %min3A_95 = arith.minimumf %max3A_93, %slice3A_94 : vector<1x128xf32>
    %max3A_96 = arith.maximumf %max3A_92, %min3A_95 : vector<1x128xf32>
    %max3A_97 = arith.maximumf %max3A_93, %slice3A_94 : vector<1x128xf32>
    %slice3A_98 = vector.extract_strided_slice %select_n3A_34 {offsets = [16, 0], sizes = [1, 128], strides = [1, 1]} : vector<24x128xf32> to vector<1x128xf32>
    %min3A_99 = arith.minimumf %max3A_97, %slice3A_98 : vector<1x128xf32>
    %max3A_100 = arith.maximumf %max3A_96, %min3A_99 : vector<1x128xf32>
    %max3A_101 = arith.maximumf %max3A_97, %slice3A_98 : vector<1x128xf32>
    %slice3A_102 = vector.extract_strided_slice %select_n3A_34 {offsets = [17, 0], sizes = [1, 128], strides = [1, 1]} : vector<24x128xf32> to vector<1x128xf32>
    %min3A_103 = arith.minimumf %max3A_101, %slice3A_102 : vector<1x128xf32>
    %max3A_104 = arith.maximumf %max3A_100, %min3A_103 : vector<1x128xf32>
    %max3A_105 = arith.maximumf %max3A_101, %slice3A_102 : vector<1x128xf32>
    %slice3A_106 = vector.extract_strided_slice %select_n3A_34 {offsets = [18, 0], sizes = [1, 128], strides = [1, 1]} : vector<24x128xf32> to vector<1x128xf32>
    %min3A_107 = arith.minimumf %max3A_105, %slice3A_106 : vector<1x128xf32>
    %max3A_108 = arith.maximumf %max3A_104, %min3A_107 : vector<1x128xf32>
    %max3A_109 = arith.maximumf %max3A_105, %slice3A_106 : vector<1x128xf32>
    %slice3A_110 = vector.extract_strided_slice %select_n3A_34 {offsets = [19, 0], sizes = [1, 128], strides = [1, 1]} : vector<24x128xf32> to vector<1x128xf32>
    %min3A_111 = arith.minimumf %max3A_109, %slice3A_110 : vector<1x128xf32>
    %max3A_112 = arith.maximumf %max3A_108, %min3A_111 : vector<1x128xf32>
    %max3A_113 = arith.maximumf %max3A_109, %slice3A_110 : vector<1x128xf32>
    %slice3A_114 = vector.extract_strided_slice %select_n3A_34 {offsets = [20, 0], sizes = [1, 128], strides = [1, 1]} : vector<24x128xf32> to vector<1x128xf32>
    %min3A_115 = arith.minimumf %max3A_113, %slice3A_114 : vector<1x128xf32>
    %max3A_116 = arith.maximumf %max3A_112, %min3A_115 : vector<1x128xf32>
    %max3A_117 = arith.maximumf %max3A_113, %slice3A_114 : vector<1x128xf32>
    %slice3A_118 = vector.extract_strided_slice %select_n3A_34 {offsets = [21, 0], sizes = [1, 128], strides = [1, 1]} : vector<24x128xf32> to vector<1x128xf32>
    %min3A_119 = arith.minimumf %max3A_117, %slice3A_118 : vector<1x128xf32>
    %max3A_120 = arith.maximumf %max3A_116, %min3A_119 : vector<1x128xf32>
    %max3A_121 = arith.maximumf %max3A_117, %slice3A_118 : vector<1x128xf32>
    %slice3A_122 = vector.extract_strided_slice %select_n3A_34 {offsets = [22, 0], sizes = [1, 128], strides = [1, 1]} : vector<24x128xf32> to vector<1x128xf32>
    %min3A_123 = arith.minimumf %max3A_121, %slice3A_122 : vector<1x128xf32>
    %max3A_124 = arith.maximumf %max3A_120, %min3A_123 : vector<1x128xf32>
    %max3A_125 = arith.maximumf %max3A_121, %slice3A_122 : vector<1x128xf32>
    %slice3A_126 = vector.extract_strided_slice %select_n3A_34 {offsets = [23, 0], sizes = [1, 128], strides = [1, 1]} : vector<24x128xf32> to vector<1x128xf32>
    %min3A_127 = arith.minimumf %max3A_125, %slice3A_126 : vector<1x128xf32>
    %max3A_128 = arith.maximumf %max3A_124, %min3A_127 : vector<1x128xf32>
    %max3A_129 = arith.maximumf %max3A_125, %slice3A_126 : vector<1x128xf32>
    %concatenate3A_130 = tpu.concatenate %max3A_129, %max3A_128 in 0 : vector<1x128xf32>, vector<1x128xf32> -> vector<2x128xf32>
    %get3A_131 = arith.constant 0 : index
    %get3A_132 = memref.load %arg2[%get3A_131] : memref<1xi32, #tpu.memory_space<smem>>
    %convert_element_type3A = arith.sitofp %get3A_132 : i32 to f32
    %scan3A = arith.constant 0.000000e+00 : f32
    %scan3A_133 = arith.constant 0 : i32
    %scan3A_134 = arith.constant 16 : i32
    %scan3A_135 = arith.addi %scan3A_133, %scan3A_134 : i32
    %scan3A_136 = arith.constant 1 : i32
    %scan3A_137:3 = scf.for %scan3A_140 = %scan3A_133 to %scan3A_135 step %scan3A_136 iter_args(%scan3A_141 = %convert_element_type3A, %scan3A_142 = %scan3A, %scan3A_143 = %concatenate3A_130) -> (f32, f32, vector<2x128xf32>)  : i32 {
      %reduce_max3A = vector.shape_cast %scan3A_143 : vector<2x128xf32> to vector<1x2x128xf32>
      %reduce_max3A_144 = arith.constant dense<0xFF800000> : vector<1xf32>
      %reduce_max3A_145 = vector.multi_reduction <maximumf>, %reduce_max3A, %reduce_max3A_144 [1, 2] : vector<1x2x128xf32> to vector<1xf32>
      %reduce_max3A_146 = vector.shape_cast %reduce_max3A_145 : vector<1xf32> to vector<1x1x1xf32>
      %reduce_max3A_147 = vector.extract %reduce_max3A_146[0, 0, 0] : f32 from vector<1x1x1xf32>
      %eq3A_148 = vector.broadcast %reduce_max3A_147 : f32 to vector<2x128xf32>
      %eq3A_149 = arith.cmpf oeq, %scan3A_143, %eq3A_148 : vector<2x128xf32>
      %convert_element_type3A_150 = arith.extui %eq3A_149 : vector<2x128xi1> to vector<2x128xi32>
      %convert_element_type3A_151 = arith.sitofp %convert_element_type3A_150 : vector<2x128xi32> to vector<2x128xf32>
      %reduce_sum3A_152 = vector.shape_cast %convert_element_type3A_151 : vector<2x128xf32> to vector<1x2x128xf32>
      %reduce_sum3A_153 = arith.constant dense<0.000000e+00> : vector<1xf32>
      %reduce_sum3A_154 = vector.multi_reduction <add>, %reduce_sum3A_152, %reduce_sum3A_153 [1, 2] : vector<1x2x128xf32> to vector<1xf32>
      %reduce_sum3A_155 = vector.shape_cast %reduce_sum3A_154 : vector<1xf32> to vector<1x1x1xf32>
      %reduce_sum3A_156 = vector.extract %reduce_sum3A_155[0, 0, 0] : f32 from vector<1x1x1xf32>
      %min3A_157 = arith.minimumf %reduce_sum3A_156, %scan3A_141 : f32
      %gt3A = arith.constant 0.000000e+00 : f32
      %gt3A_158 = arith.cmpf ogt, %min3A_157, %gt3A : f32
      %gt3A_159 = arith.constant 0xFF800000 : f32
      %gt3A_160 = arith.cmpf ogt, %reduce_max3A_147, %gt3A_159 : f32
      %and3A_161 = arith.andi %gt3A_158, %gt3A_160 : i1
      %mul3A_162 = arith.mulf %min3A_157, %reduce_max3A_147 : f32
      %jit3A_163 = arith.constant 0.000000e+00 : f32
      %select_n3A_164 = arith.select %and3A_161, %mul3A_162, %jit3A_163 : f32
      %sub3A_165 = arith.subf %scan3A_141, %min3A_157 : f32
      %add3A_166 = arith.addf %scan3A_142, %select_n3A_164 : f32
      %jit3A_167 = arith.constant 0xFF800000 : f32
      %broadcast_in_dim3A_168 = vector.broadcast %jit3A_167 : f32 to vector<2x128xf32>
      %select_n3A_169 = arith.select %eq3A_149, %broadcast_in_dim3A_168, %scan3A_143 : vector<2x128xi1>, vector<2x128xf32>
      scf.yield %sub3A_165, %add3A_166, %select_n3A_169 : f32, f32, vector<2x128xf32>
    }
    %sub3A = arith.subf %reduce_sum3A_31, %scan3A_137#1 : f32
    %swap3A = arith.constant 0 : index
    %swap3A_138 = arith.constant 0 : index
    %swap3A_139 = memref.load %arg3[%swap3A, %swap3A_138] : memref<1x1xf32, #tpu.memory_space<smem>>
    memref.store %sub3A, %arg3[%swap3A, %swap3A_138] : memref<1x1xf32, #tpu.memory_space<smem>>
    return
  }
}

</mosaic_0001>

<sc_bundles>
// kernel: kernel.5.cloned.1.call-start
scs
__scs_entry_jumppad:
0x0: {  	(pc) =	sbr.rel $0x88, $3  }
0x1: {  	(tag) =	ssettag $0x0;
	lr =	simm.s32 $0x1  }
0x2: {  	[smem:$0x3F9E] =	sst lr;
	_ =	strace $0xD0000000  }
0x3: {  	_ = 	snop  }
0x4: {  	_ = 	snop  }
0x5: {  	_ = 	snop  }
0x6: {  	_ = 	snop  }
0x7: {  	_ = 	snop  }
__scs_overlays_trampoline_lowered:
0x8: {  	[smem:$0x3FAD] =	sst s0  }
0x9: {  	[smem:$0x3FAE] =	sst s1  }
0xa: {  	[smem:$0x3FAF] =	sst s2  }
0xb: {  	[smem:$0x3FB0] =	sst s3  }
0xc: {  	[smem:$0x3FB1] =	sst s4  }
0xd: {  	[smem:$0x3FB2] =	sst s5  }
0xe: {  	[smem:$0x3FB3] =	sst s6  }
0xf: {  	[smem:$0x3FB4] =	sst s7  }
0x10: {  	[smem:$0x3FB5] =	sst s8  }
0x11: {  	[smem:$0x3FB6] =	sst s9;
	s0 =	simm.s32 @!p0 $0x0  }
0x12: {  	s1 =	sld [smem:$0x3F9C];
	s0 =	simm.s32 @p0 $0x1  }
0x13: {  	[smem:$0x3FB7] =	sst s0;
	s0 =	simm.s32 @!p1 $0x0  }
0x14: {  	s2 =	sld [smem:$0x3F9B];
	s0 =	simm.s32 @p1 $0x1  }
0x15: {  	[smem:$0x3FB8] =	sst s0;
	s0 =	simm.s32 @!p2 $0x0  }
0x16: {  	s3 =	sld [smem:$0x3FDB];
	s0 =	simm.s32 @p2 $0x1  }
0x17: {  	s4 =	simm.s32 $0x1BF5;
	[smem:$0x3FBA] =	sst s0  }
0x18: {  	s0 =	sld [smem:$0x3F9D];
	_ =	swait.ge [sflag:s4], $0x0  }
0x19: {  	s7 =	sld [smem:$0x3F9E]  }
0x1a: {  	s8 =	sadd.s32 $0xFFFFE003, lr  }
0x1b: {  	s9 =	sadd.s32 $0xFFFFFEF7, lr;
	s5 =	simm.s32 $0xFFFFFFFF;
	p2 =	slt.u32 s8, $0xFFFFF086  }
0x1c: {  	p1 =	slt.u32 s9, $0xF7A;
	s5 =	simm.s32 @!p2 $0x0  }
0x1d: {  	s5 =	simm.s32 @p1 $0x1;
	p0 =	seq.s32 s7, s2  }
0x1e: {  	s7 =	smul.u32 @!p0 $0xF7A, s2;
	p2 =	seq.s32 @!p0 s5, $0x0  }
0x1f: {  	s9 =	smul.u32 $0xF7A, s1;
	s8 =	simm.s32 @!p0 $0x1BF5;
	p2 =	por !p2, p0  }
0x20: {  	[sflag:s8] =	ssyncset.s32 @!p0 $0xFFFFF086;
	s6 =	sadd.s32 @!p0 s3, s7;
	s7 =	simm.s32 @!p0 $0x108  }
0x21: {  	s3 =	sadd.s32 s3, s9;
	s6 =	sadd.s32 @!p0 $0x88, s6;
	s7 =	simm.s32 @p2 $0x1082  }
0x22: {  	[simem:s7], [sflag:s8] =	dma.local @!p0 [hbm:s6], $0xF7A  }
0x23: {  	s9 =	sor.u32 $0xD0000000, s2;
	s6 =	simm.s32 $0x108;
	_ =	swait.ge @!p0 [sflag:s8], $0x0  }
0x24: {  	s3 =	sadd.s32 $0x88, s3;
	s6 =	simm.s32 @!p1 $0x1082;
	[sflag:s4] =	ssyncset.s32 $0xFFFFF086  }
0x25: {  	[simem:s6], [sflag:s4] =	dma.local [hbm:s3], $0xF7A  }
0x26: {  	[smem:$0x3F9E] =	sst s1;
	(tag) =	ssettag s2;
	_ =	strace s9  }
0x27: {  	s1 =	sld [smem:$0x3FAE]  }
0x28: {  	s2 =	sld [smem:$0x3FAF]  }
0x29: {  	s4 =	sld [smem:$0x3FB1]  }
0x2a: {  	p0 =	seq.s32 s5, $0x0;
	s5 =	sld [smem:$0x3FB2]  }
0x2b: {  	s6 =	sld [smem:$0x3FB3]  }
0x2c: {  	s7 =	sld [smem:$0x3FB4]  }
0x2d: {  	s3 =	simm.s32 $0x108;
	s8 =	sld [smem:$0x3FB5]  }
0x2e: {  	s3 =	simm.s32 @!p0 $0x1082;
	s9 =	sld [smem:$0x3FB6]  }
0x2f: {  	lr =	sadd.s32 s0, s3;
	s0 =	sld [smem:$0x3FAD]  }
0x30: {  	s3 =	sld [smem:$0x3FB0]  }
0x31: {  	[smem:$0x3FB9] =	sst s10  }
0x32: {  	s10 =	sld [smem:$0x3FB7];
	_ =	sdelay $0x3  }
0x33: {  	p0 =	seq.s32 s10, $0x1;
	s10 =	sld [smem:$0x3FB9];
	_ =	sdelay $0x3  }
0x34: {  	[smem:$0x3FB9] =	sst s10  }
0x35: {  	s10 =	sld [smem:$0x3FB8];
	_ =	sdelay $0x3  }
0x36: {  	p1 =	seq.s32 s10, $0x1;
	s10 =	sld [smem:$0x3FB9];
	_ =	sdelay $0x3  }
0x37: {  	[smem:$0x3FB9] =	sst s10  }
0x38: {  	s10 =	sld [smem:$0x3FBA]  }
0x39: {  	_ = 	snop;
	(pc) =	sbr.ind lr, $3  }
0x3a: {  	_ = 	snop  }
0x3b: {  	_ = 	snop  }
0x3c: {  	p2 =	seq.s32 s10, $0x1;
	s10 =	sld [smem:$0x3FB9]  }
0x3d: {  	_ =	shalt  }
0x3e: {  	_ =	shalt  }
0x3f: {  	_ =	shalt  }
0x40: {  	_ =	shalt  }
0x41: {  	_ =	shalt  }
0x42: {  	_ =	shalt  }
0x43: {  	_ =	shalt  }
0x44: {  	_ =	shalt  }
0x45: {  	_ =	shalt  }
0x46: {  	_ =	shalt  }
0x47: {  	_ =	shalt  }
0x48: {  	_ =	shalt  }
0x49: {  	_ =	shalt  }
0x4a: {  	_ =	shalt  }
0x4b: {  	_ =	shalt  }
0x4c: {  	_ =	shalt  }
0x4d: {  	_ =	shalt  }
0x4e: {  	_ =	shalt  }
0x4f: {  	_ =	shalt  }
0x50: {  	_ =	shalt  }
0x51: {  	_ =	shalt  }
0x52: {  	_ =	shalt  }
0x53: {  	_ =	shalt  }
0x54: {  	_ =	shalt  }
0x55: {  	_ =	shalt  }
0x56: {  	_ =	shalt  }
0x57: {  	_ =	shalt  }
0x58: {  	_ =	shalt  }
0x59: {  	_ =	shalt  }
0x5a: {  	_ =	shalt  }
0x5b: {  	_ =	shalt  }
0x5c: {  	_ =	shalt  }
0x5d: {  	_ =	shalt  }
0x5e: {  	_ =	shalt  }
0x5f: {  	_ =	shalt  }
0x60: {  	_ =	shalt  }
0x61: {  	_ =	shalt  }
0x62: {  	_ =	shalt  }
0x63: {  	_ =	shalt  }
0x64: {  	_ =	shalt  }
0x65: {  	_ =	shalt  }
0x66: {  	_ =	shalt  }
0x67: {  	_ =	shalt  }
0x68: {  	_ =	shalt  }
0x69: {  	_ =	shalt  }
0x6a: {  	_ =	shalt  }
0x6b: {  	_ =	shalt  }
0x6c: {  	_ =	shalt  }
0x6d: {  	_ =	shalt  }
0x6e: {  	_ =	shalt  }
0x6f: {  	_ =	shalt  }
0x70: {  	_ =	shalt  }
0x71: {  	_ =	shalt  }
0x72: {  	_ =	shalt  }
0x73: {  	_ =	shalt  }
0x74: {  	_ =	shalt  }
0x75: {  	_ =	shalt  }
0x76: {  	_ =	shalt  }
0x77: {  	_ =	shalt  }
0x78: {  	_ =	shalt  }
0x79: {  	_ =	shalt  }
0x7a: {  	_ =	shalt  }
0x7b: {  	_ =	shalt  }
0x7c: {  	_ =	shalt  }
0x7d: {  	_ =	shalt  }
0x7e: {  	_ =	shalt  }
0x7f: {  	_ =	shalt  }
0x80: {  	_ =	shalt  }
0x81: {  	_ =	shalt  }
0x82: {  	_ =	shalt  }
0x83: {  	_ =	shalt  }
0x84: {  	_ =	shalt  }
0x85: {  	_ =	shalt  }
0x86: {  	_ =	shalt  }
0x87: {  	_ =	shalt  }
.Lfunc_end0:
.L_simem_size_0:
called_computation_lowered:
.L_overlay_start_0:
0x88: {  	s2 =	sld [smem:$0x3FD9]  }
0x89: {  	s3 =	sld [smem:$0x3FFE];
	_ =	sdelay $0x1  }
0x8a: {  	s1 =	srdreg.scid  }
0x8b: {  	s0 =	sand.u32 $0x1, s1  }
0x8c: {  	s17 =	sshll.u32 s0, $0xA;
	s2 =	sadd.s32 s3, s2  }
0x8d: {  	s2 =	sadd.s32 s2, s17  }
0x8e: {  	[smem:$0x3FC5] =	sst s2  }
0x8f: {  	_ = 	snop  }
0x90: {  	(tm) =	ssettm $0x1  }
0x91: {  	s18 =	sld [smem:$0x3FFB];
	_ =	sdelay $0x3  }
0x92: {  	_ =	strace s18  }
0x93: {  	s2 =	sld [smem:$0x3FFC];
	_ =	sdelay $0x3  }
0x94: {  	_ =	strace s2  }
0x95: {  	s2 =	sld [smem:$0x3FFD];
	_ =	sdelay $0x3  }
0x96: {  	_ =	strace s2  }
0x97: {  	_ =	strace $0x8FFFFFFF  }
0x98: {  	s19 =	sld [smem:$0x3FDB];
	_ =	sdelay $0x1  }
0x99: {  	s20 =	simm.s32 $_scs_section_size  }
0x9a: {  	s4 =	simm.s32 $_size__tile_overlayer_lowered;
	s5 =	simm.s32 $_tile_overlayer_lowered  }
0x9b: {  	s6 =	simm.s32 $0x1BFF;
	s21 =	sshll.u32 s5, $0x1;
	s3 =	sadd.s32 s20, s19  }
0x9c: {  	s22 =	simm.s32 $0x0;
	s4 =	sshll.u32 s4, $0x1;
	s5 =	sadd.s32 s21, s3  }
0x9d: {  	[timem:s22], [sflag:s6] =	dma.local [hbm:s5], s4  }
0x9e: {  	_ =	swait.ge [sflag:s6], s4  }
0x9f: {  	s4 =	ssub.s32 $0x0, s4;
	[sflag:s6] =	ssyncset.done $0x0  }
0xa0: {  	[sflag:s6] =	ssyncadd.s32 s4;
	_ =	sdelay $0x1  }
0xa1: {  	s23 =	simm.s32 $0x1B8B  }
0xa2: {  	_ =	swait.ge [sflag:s23], $0x1  }
0xa3: {  	[sflag:s23] =	ssyncset.done $0x0  }
0xa4: {  	[sflag:s23] =	ssyncadd.s32 $0xFFFFFFFF  }
0xa5: {  	s4 =	sld [smem:$0x0]  }
0xa6: {  	s5 =	sand.u32 $0xFFFFFFFE, s1  }
0xa7: {  	p0 =	sne.s32 s1, s5  }
0xa8: {  	s5 =	sshll.u32 @p0 s5, $0xE  }
0xa9: {  	s5 =	sadd.s32 @p0 $0x11B8D, s5;
	s6 =	sshll.u32 @p0 s4, $0x11  }
0xaa: {  	s5 =	sor.u32 @p0 s6, s5  }
0xab: {  	[sflag:s5] =	ssyncadd.remote.s32 @p0 $0x1;
	_ =	sdelay $0x1  }
0xac: {  	s5 =	simm.s32 @p0 $0x1B8D  }
0xad: {  	_ =	swait.eq @p0 [sflag:s5], $0x1  }
0xae: {  	[sflag:s5] =	ssyncadd.s32 @p0 $0xFFFFFFFF  }
0xaf: {  	s6 =	sshll.u32 @!p0 s1, $0xE  }
0xb0: {  	s6 =	sor.u32 @!p0 $0x4000, s6;
	s5 =	simm.s32 @!p0 $0x1B8D  }
0xb1: {  	s4 =	sshll.u32 @!p0 s4, $0x11;
	s6 =	sadd.s32 @!p0 $0x11B8D, s6;
	_ =	swait.eq @!p0 [sflag:s5], $0x1  }
0xb2: {  	s4 =	sor.u32 @!p0 s4, s6;
	[sflag:s5] =	ssyncadd.s32 @!p0 $0xFFFFFFFF  }
0xb3: {  	s25 =	simm.s32 $0x1B8E;
	s24 =	sld [smem:$0x3FFE];
	[sflag:s4] =	ssyncadd.remote.s32 @!p0 $0x1  }
0xb4: {  	s26 =	simm.s32 $execute0_lowered;
	[smem:$0x3FD2] =	sst s25  }
0xb5: {  	s5 =	sshll.u32 s26, $0x1;
	_ =	strace $0x80000049;
	[dreg:$0x1] =	wrdreg $0xFFFFFFFF  }
0xb6: {  	s28 =	simm.s32 $_size_execute0_lowered;
	s3 =	sadd.s32 s3, s5;
	[dreg:$0x0] =	wrdreg $0x0  }
0xb7: {  	s5 =	sshll.u32 s28, $0x1;
	[dreg:$0x2] =	wrdreg s3  }
0xb8: {  	[dreg:$0x3] =	wrdreg s5  }
0xb9: {  	[dreg:$0x4] =	wrdreg $0xC0  }
0xba: {  	_ =	task [dreg:s22], $0x5FFFF  }
0xbb: {  	[dreg:$0x1] =	wrdreg $0xFFFFFFFF  }
0xbc: {  	[dreg:$0x0] =	wrdreg $0x60  }
0xbd: {  	[dreg:$0x2] =	wrdreg s24  }
0xbe: {  	[dreg:$0x3] =	wrdreg $0x9  }
0xbf: {  	_ =	task.clear_ibuf [dreg:s22], $0x4FFFF;
	_ =	strace $0x90000049  }
0xc0: {  	s29 =	simm.s32 $0x9;
	_ =	strace $0x8000004B  }
0xc1: {  	_ =	swait.ge [sflag:s29], $0x1  }
0xc2: {  	[sflag:s29] =	ssyncadd.s32 $0xFFFFFFFF  }
0xc3: {  	_ =	strace $0x9000004B  }
0xc4: {  	_ =	sfence  }
0xc5: {  	s30 =	sld [smem:$0x0];
	_ =	sdelay $0x2  }
0xc6: {  	s31 =	sshll.u32 s1, $0xD;
	s1 =	sshrl.u32 s1, $0x2  }
0xc7: {  	s4 =	sand.u32 $0x4000, s31;
	s1 =	sadd.s32 s1, s30  }
0xc8: {  	s0 =	sor.u32 s4, s0;
	s1 =	sshll.u32 s1, $0x11  }
0xc9: {  	s0 =	sor.u32 s1, s0  }
0xca: {  	s0 =	sadd.s32 $0x8F2B, s0  }
0xcb: {  	[sflag:s0] =	ssyncadd.remote.s32 $0x1  }
0xcc: {  	_ =	sfence.sel $0xFFFF  }
0xcd: {  	[dreg:$0x0] =	wrdreg $0xFFFFFFFF;
	(pc) =	sbr.abs _section_cstart, $3  }
0xce: {  	[dreg:$0x1] =	wrdreg $0xFFFFFFFF  }
0xcf: {  	_ =	task.clear_ibuf [dreg:s22], $0x2FFFF;
	_ =	strace $0x9FFFFFFF  }
0xd0: {  	(tm) =	ssettm $0x7FFFFFFF  }
0xd1: {  	_ =	shalt  }
tec
execute0_lowered:
.L_overlay_start_1:
0x0: {  	(tag) =	ssettag $0x1  }
0x1: {  	s5 =	rddreg [dreg:$0x0];
	s1 =	srdreg.scid  }
0x2: {  	s0 =	rddreg [dreg:$0x1];
	s2 =	simm.s32 $0x0;
	s4 =	sand.u32 $0x1, s1  }
0x3: {  	s9 =	simm.s32 $0x6D00;
	s1 =	stileid.u32;
	s3 =	sshll.u32 s4, $0x4  }
0x4: {  	s10 =	simm.s32 $0x6C00;
	s11 =	simm.s32 $0x6D80;
	s6 =	sor.u32 s1, s3  }
0x5: {  	s12 =	simm.s32 $0x0;
	[smem:$0x7FF] =	sst s2;
	s7 =	smul.u32 $0x6, s6  }
0x6: {  	_ =	strace $0x8000004A;
	s8 =	ssub.s32 $0x2, s4;
	s6 =	smul.u32 $0xD80, s6  }
0x7: {  	s4 =	sadd.s32 $0x23A00, s5;
	s3 =	sadd.s32 $0x23E00, s5;
	s31 =	sshrl.u32 s8, $0x1  }
0x8: {  	s8 =	ssub.s32 s8, s31;
	s7 =	sadd.s32 s7, s5;
	s5 =	sadd.s32 s3, s6  }
0x9: {  	s6 =	sadd.s32 $0x3EE00, s7;
	s7 =	smax.u32 s8, $0x1;
	s8 =	simm.s32 $0x1  }
.LBB2_1:
0xa: {  	[tilespmem:s2], [sflag:$0x1] =	stream.linear.gather [hbm4b:s5+s2], $0x6C00, $0x38;
	[tilespmem:$0x6E00] =	vst v63  }
0xb: {  	_ =	swait.ge [sflag:s8], $0x6C00  }
0xc: {  	[sflag:s8] =	ssyncset.done $0x0  }
0xd: {  	[sflag:s8] =	ssyncadd.s32 $0xFFFF9400  }
0xe: {  	[tilespmem:s9], [sflag:$0x1] =	stream.linear.gather [hbm4b:s4+s2], $0x80, $0x38;
	[tilespmem:$0x6E00] =	vst v63  }
0xf: {  	_ =	swait.ge [sflag:s8], $0x80  }
0x10: {  	[sflag:s8] =	ssyncset.done $0x0  }
0x11: {  	[sflag:s8] =	ssyncadd.s32 $0xFFFFFF80  }
0x12: {  	v3 =	vimm.f32 $0.0e+00;
	v1 =	vimm.f32 $-Inf;
	s13 =	simm.s32 $0xFFFFFFFC;
	s14 =	simm.s32 $0x200;
	v2 =	vimm.f32 $-Inf;
	v0 =	vld [tilespmem:$0x6D00]  }
.LBB2_2:
0x13: {  	v4 =	vld [tilespmem:s14+$0xFFFFFE00]  }
0x14: {  	v5 =	vld [tilespmem:s14+$0xFFFFFE80]  }
0x15: {  	v6 =	vld [tilespmem:s14+$0xFFFFFE10]  }
0x16: {  	v7 =	vld [tilespmem:s14+$0xFFFFFE90]  }
0x17: {  	v8 =	vld [tilespmem:s14+$0xFFFFFEA0]  }
0x18: {  	v32 =	vld [tilespmem:s14+$0xFFFFFE30]  }
0x19: {  	v10 =	vld [tilespmem:s14+$0xFFFFFEB0]  }
0x1a: {  	v36 =	vld [tilespmem:s14+$0xFFFFFE50]  }
0x1b: {  	v39 =	vld [tilespmem:s14+$0xFFFFFED0]  }
0x1c: {  	v45 =	vld [tilespmem:s14+$0xFFFFFE70]  }
0x1d: {  	v48 =	vld [tilespmem:s14+$0xFFFFFEF0]  }
0x1e: {  	v54 =	vld [tilespmem:s14+$0xFFFFFF10]  }
0x1f: {  	v57 =	vld [tilespmem:s14+$0xFFFFFF90]  }
0x20: {  	v63 =	vld [tilespmem:s14+$0xFFFFFF30]  }
0x21: {  	v17 =	vld [tilespmem:s14+$0xFFFFFFB0]  }
0x22: {  	v23 =	vld [tilespmem:s14+$0xFFFFFF50]  }
0x23: {  	v4 =	vsub.f32 v5, v4;
	v5 =	vld [tilespmem:s14+$0xFFFFFE20]  }
0x24: {  	v26 =	vld [tilespmem:s14+$0xFFFFFFD0];
	v6 =	vsub.f32 v7, v6  }
0x25: {  	v35 =	vsub.f32 v10, v32;
	v4 =	vmul.f32 v4, v0  }
0x26: {  	v44 =	vsub.f32 v39, v36;
	v53 =	vsub.f32 v48, v45;
	v6 =	vmul.f32 v6, v0  }
0x27: {  	v62 =	vsub.f32 v57, v54;
	v22 =	vsub.f32 v17, v63;
	v9 =	vand.u32 $0x7FFFFFFF, v4  }
0x28: {  	v33 =	vld [tilespmem:s14+$0xFFFFFE40];
	v11 =	vand.u32 $0x7FFFFFFF, v6;
	vm0 =	vle.f32 v9, $3.402823470e+38;
	v5 =	vsub.f32 v8, v5  }
0x29: {  	v12 =	vld [tilespmem:s14+$0xFFFFFEC0];
	v31 =	vsub.f32 v26, v23;
	vm9 =	vle.f32 v11, $3.402823470e+38;
	v4 =	vnsel vm0, $0x0, v4  }
0x2a: {  	v3 =	vadd.f32 v4, v3;
	v34 =	vmin.f32 v2, v4;
	v5 =	vmul.f32 v5, v0  }
0x2b: {  	v2 =	vmax.f32 v2, v4;
	v4 =	vnsel vm9, $0x0, v6;
	v6 =	vmul.f32 v35, v0  }
0x2c: {  	v1 =	vmax.f32 v1, v34;
	v37 =	vmin.f32 v2, v4;
	v38 =	vand.u32 $0x7FFFFFFF, v5  }
0x2d: {  	v40 =	vld [tilespmem:s14+$0xFFFFFE60];
	v2 =	vmax.f32 v2, v4;
	v3 =	vadd.f32 v4, v3;
	vm10 =	vle.f32 v38, $3.402823470e+38  }
0x2e: {  	v43 =	vld [tilespmem:s14+$0xFFFFFEE0];
	v42 =	vand.u32 $0x7FFFFFFF, v6;
	v4 =	vnsel vm10, $0x0, v5;
	v5 =	vsub.f32 v12, v33  }
0x2f: {  	v32 =	vld [tilespmem:s14+$0xFFFFFF70];
	v1 =	vmax.f32 v1, v37;
	vm11 =	vle.f32 v42, $3.402823470e+38;
	v3 =	vadd.f32 v4, v3  }
0x30: {  	v35 =	vld [tilespmem:s14+$0xFFFFFFF0];
	v41 =	vmin.f32 v2, v4;
	v2 =	vmax.f32 v2, v4;
	v5 =	vmul.f32 v5, v0  }
0x31: {  	v4 =	vnsel vm11, $0x0, v6;
	v6 =	vmul.f32 v44, v0;
	v1 =	vmax.f32 v1, v41  }
0x32: {  	v46 =	vmin.f32 v2, v4;
	v2 =	vmax.f32 v2, v4;
	v47 =	vand.u32 $0x7FFFFFFF, v5  }
0x33: {  	v49 =	vld [tilespmem:s14+$0xFFFFFF00];
	v3 =	vadd.f32 v4, v3;
	v1 =	vmax.f32 v1, v46;
	vm12 =	vle.f32 v47, $3.402823470e+38  }
0x34: {  	v52 =	vld [tilespmem:s14+$0xFFFFFF80];
	v51 =	vand.u32 $0x7FFFFFFF, v6;
	v4 =	vnsel vm12, $0x0, v5;
	v5 =	vsub.f32 v43, v40  }
0x35: {  	v44 =	vld [tilespmem:s14+$0x90];
	vm13 =	vle.f32 v51, $3.402823470e+38;
	v40 =	vsub.f32 v35, v32;
	v3 =	vadd.f32 v4, v3  }
0x36: {  	v41 =	vld [tilespmem:s14+$0x10];
	v50 =	vmin.f32 v2, v4;
	v2 =	vmax.f32 v2, v4;
	v5 =	vmul.f32 v5, v0  }
0x37: {  	v4 =	vnsel vm13, $0x0, v6;
	v6 =	vmul.f32 v53, v0;
	v1 =	vmax.f32 v1, v50  }
0x38: {  	v55 =	vmin.f32 v2, v4;
	v2 =	vmax.f32 v2, v4;
	v56 =	vand.u32 $0x7FFFFFFF, v5  }
0x39: {  	v58 =	vld [tilespmem:s14+$0xFFFFFF20];
	v3 =	vadd.f32 v4, v3;
	v1 =	vmax.f32 v1, v55;
	vm14 =	vle.f32 v56, $3.402823470e+38  }
0x3a: {  	v61 =	vld [tilespmem:s14+$0xFFFFFFA0];
	v60 =	vand.u32 $0x7FFFFFFF, v6;
	v4 =	vnsel vm14, $0x0, v5;
	v5 =	vsub.f32 v52, v49  }
0x3b: {  	v53 =	vld [tilespmem:s14+$0xB0];
	vm15 =	vle.f32 v60, $3.402823470e+38;
	v49 =	vsub.f32 v44, v41;
	v3 =	vadd.f32 v4, v3  }
0x3c: {  	v50 =	vld [tilespmem:s14+$0x30];
	v59 =	vmin.f32 v2, v4;
	v2 =	vmax.f32 v2, v4;
	v5 =	vmul.f32 v5, v0  }
0x3d: {  	v4 =	vnsel vm15, $0x0, v6;
	v6 =	vmul.f32 v62, v0;
	v1 =	vmax.f32 v1, v59  }
0x3e: {  	v18 =	vld [tilespmem:s14+$0xFFFFFF40];
	v15 =	vmin.f32 v2, v4;
	v2 =	vmax.f32 v2, v4;
	v16 =	vand.u32 $0x7FFFFFFF, v5  }
0x3f: {  	v62 =	vld [tilespmem:s14+$0xD0];
	v3 =	vadd.f32 v4, v3;
	v1 =	vmax.f32 v1, v15;
	vm4 =	vle.f32 v16, $3.402823470e+38  }
0x40: {  	v59 =	vld [tilespmem:s14+$0x50];
	v20 =	vand.u32 $0x7FFFFFFF, v6;
	v4 =	vnsel vm4, $0x0, v5;
	v5 =	vsub.f32 v61, v58  }
0x41: {  	v21 =	vld [tilespmem:s14+$0xFFFFFFC0];
	vm5 =	vle.f32 v20, $3.402823470e+38;
	v58 =	vsub.f32 v53, v50;
	v3 =	vadd.f32 v4, v3  }
0x42: {  	v19 =	vmin.f32 v2, v4;
	v2 =	vmax.f32 v2, v4;
	v5 =	vmul.f32 v5, v0  }
0x43: {  	v4 =	vnsel vm5, $0x0, v6;
	v6 =	vmul.f32 v22, v0;
	v1 =	vmax.f32 v1, v19  }
0x44: {  	v27 =	vld [tilespmem:s14+$0xFFFFFF60];
	v24 =	vmin.f32 v2, v4;
	v2 =	vmax.f32 v2, v4;
	v25 =	vand.u32 $0x7FFFFFFF, v5  }
0x45: {  	v23 =	vld [tilespmem:s14+$0xF0];
	v19 =	vsub.f32 v62, v59;
	v3 =	vadd.f32 v4, v3;
	vm6 =	vle.f32 v25, $3.402823470e+38  }
0x46: {  	v20 =	vld [tilespmem:s14+$0x70];
	v29 =	vand.u32 $0x7FFFFFFF, v6;
	v4 =	vnsel vm6, $0x0, v5;
	v5 =	vsub.f32 v21, v18  }
0x47: {  	v30 =	vld [tilespmem:s14+$0xFFFFFFE0];
	v1 =	vmax.f32 v1, v24;
	vm7 =	vle.f32 v29, $3.402823470e+38;
	v3 =	vadd.f32 v4, v3  }
0x48: {  	v28 =	vmin.f32 v2, v4;
	v2 =	vmax.f32 v2, v4;
	v5 =	vmul.f32 v5, v0  }
0x49: {  	v4 =	vnsel vm7, $0x0, v6;
	v6 =	vmul.f32 v31, v0;
	v1 =	vmax.f32 v1, v28  }
0x4a: {  	v33 =	vmin.f32 v2, v4;
	v2 =	vmax.f32 v2, v4;
	v34 =	vand.u32 $0x7FFFFFFF, v5  }
0x4b: {  	v36 =	vld [tilespmem:s14+$0x0];
	v28 =	vsub.f32 v23, v20;
	v3 =	vadd.f32 v4, v3;
	vm8 =	vle.f32 v34, $3.402823470e+38  }
0x4c: {  	v39 =	vld [tilespmem:s14+$0x80];
	v38 =	vand.u32 $0x7FFFFFFF, v6;
	v4 =	vnsel vm8, $0x0, v5;
	v5 =	vsub.f32 v30, v27  }
0x4d: {  	v32 =	vld [tilespmem:s14+$0x190];
	v1 =	vmax.f32 v1, v33;
	vm9 =	vle.f32 v38, $3.402823470e+38;
	v3 =	vadd.f32 v4, v3  }
0x4e: {  	v29 =	vld [tilespmem:s14+$0x110];
	v37 =	vmin.f32 v2, v4;
	v2 =	vmax.f32 v2, v4;
	v5 =	vmul.f32 v5, v0  }
0x4f: {  	v45 =	vld [tilespmem:s14+$0x20];
	v4 =	vnsel vm9, $0x0, v6;
	v6 =	vmul.f32 v40, v0;
	v1 =	vmax.f32 v1, v37  }
0x50: {  	v48 =	vld [tilespmem:s14+$0xA0];
	v42 =	vmin.f32 v2, v4;
	v2 =	vmax.f32 v2, v4;
	v43 =	vand.u32 $0x7FFFFFFF, v5  }
0x51: {  	v41 =	vld [tilespmem:s14+$0x1B0];
	v3 =	vadd.f32 v4, v3;
	v1 =	vmax.f32 v1, v42;
	vm10 =	vle.f32 v43, $3.402823470e+38  }
0x52: {  	v47 =	vand.u32 $0x7FFFFFFF, v6;
	v42 =	vld [tilespmem:s14+$0x140];
	v4 =	vnsel vm10, $0x0, v5;
	v5 =	vsub.f32 v39, v36  }
0x53: {  	v37 =	vsub.f32 v32, v29;
	vm11 =	vle.f32 v47, $3.402823470e+38;
	v43 =	vld [tilespmem:s14+$0x1C0];
	v3 =	vadd.f32 v4, v3  }
0x54: {  	v38 =	vld [tilespmem:s14+$0x130];
	v46 =	vmin.f32 v2, v4;
	v2 =	vmax.f32 v2, v4;
	v5 =	vmul.f32 v5, v0  }
0x55: {  	v4 =	vnsel vm11, $0x0, v6;
	v6 =	vmul.f32 v49, v0;
	v1 =	vmax.f32 v1, v46  }
0x56: {  	v51 =	vmin.f32 v2, v4;
	v2 =	vmax.f32 v2, v4;
	v52 =	vand.u32 $0x7FFFFFFF, v5  }
0x57: {  	v3 =	vadd.f32 v4, v3;
	v56 =	vand.u32 $0x7FFFFFFF, v6;
	vm12 =	vle.f32 v52, $3.402823470e+38  }
0x58: {  	v54 =	vld [tilespmem:s14+$0x40];
	v8 =	vsub.f32 v43, v42;
	v4 =	vnsel vm12, $0x0, v5;
	v5 =	vsub.f32 v48, v45  }
0x59: {  	v57 =	vld [tilespmem:s14+$0xC0];
	v46 =	vsub.f32 v41, v38;
	v1 =	vmax.f32 v1, v51;
	vm13 =	vle.f32 v56, $3.402823470e+38  }
0x5a: {  	v8 =	vmul.f32 v8, v0;
	v3 =	vadd.f32 v4, v3;
	v5 =	vmul.f32 v5, v0  }
0x5b: {  	v55 =	vmin.f32 v2, v4;
	v2 =	vmax.f32 v2, v4;
	v4 =	vnsel vm13, $0x0, v6  }
0x5c: {  	v6 =	vmul.f32 v58, v0;
	v1 =	vmax.f32 v1, v55;
	v61 =	vand.u32 $0x7FFFFFFF, v5  }
0x5d: {  	v60 =	vmin.f32 v2, v4;
	v2 =	vmax.f32 v2, v4;
	vm14 =	vle.f32 v61, $3.402823470e+38  }
0x5e: {  	v63 =	vld [tilespmem:s14+$0x60];
	v3 =	vadd.f32 v4, v3;
	v4 =	vnsel vm14, $0x0, v5;
	v5 =	vsub.f32 v57, v54  }
0x5f: {  	v18 =	vld [tilespmem:s14+$0xE0];
	v55 =	vand.u32 $0x7FFFFFFF, v8;
	v1 =	vmax.f32 v1, v60;
	v17 =	vand.u32 $0x7FFFFFFF, v6  }
0x60: {  	vm15 =	vle.f32 v17, $3.402823470e+38;
	v3 =	vadd.f32 v4, v3;
	v5 =	vmul.f32 v5, v0  }
0x61: {  	v16 =	vmin.f32 v2, v4;
	v2 =	vmax.f32 v2, v4;
	v4 =	vnsel vm15, $0x0, v6  }
0x62: {  	v6 =	vmul.f32 v19, v0;
	v1 =	vmax.f32 v1, v16;
	v22 =	vand.u32 $0x7FFFFFFF, v5  }
0x63: {  	v21 =	vmin.f32 v2, v4;
	v2 =	vmax.f32 v2, v4;
	vm4 =	vle.f32 v22, $3.402823470e+38  }
0x64: {  	v24 =	vld [tilespmem:s14+$0x100];
	v3 =	vadd.f32 v4, v3;
	v4 =	vnsel vm4, $0x0, v5;
	v5 =	vsub.f32 v18, v63  }
0x65: {  	v27 =	vld [tilespmem:s14+$0x180];
	vm12 =	vle.f32 v55, $3.402823470e+38;
	v1 =	vmax.f32 v1, v21;
	v26 =	vand.u32 $0x7FFFFFFF, v6  }
0x66: {  	vm5 =	vle.f32 v26, $3.402823470e+38;
	v3 =	vadd.f32 v4, v3;
	v5 =	vmul.f32 v5, v0  }
0x67: {  	v25 =	vmin.f32 v2, v4;
	v2 =	vmax.f32 v2, v4;
	v4 =	vnsel vm5, $0x0, v6  }
0x68: {  	v6 =	vmul.f32 v28, v0;
	v1 =	vmax.f32 v1, v25;
	v31 =	vand.u32 $0x7FFFFFFF, v5  }
0x69: {  	v50 =	vld [tilespmem:s14+$0x1D0];
	v30 =	vmin.f32 v2, v4;
	v2 =	vmax.f32 v2, v4;
	vm6 =	vle.f32 v31, $3.402823470e+38  }
0x6a: {  	v33 =	vld [tilespmem:s14+$0x120];
	v3 =	vadd.f32 v4, v3;
	v4 =	vnsel vm6, $0x0, v5;
	v5 =	vsub.f32 v27, v24  }
0x6b: {  	v36 =	vld [tilespmem:s14+$0x1A0];
	v8 =	vnsel vm12, $0x0, v8;
	v1 =	vmax.f32 v1, v30;
	v35 =	vand.u32 $0x7FFFFFFF, v6  }
0x6c: {  	v49 =	vld [tilespmem:s14+$0x150];
	vm7 =	vle.f32 v35, $3.402823470e+38;
	v3 =	vadd.f32 v4, v3;
	v5 =	vmul.f32 v5, v0  }
0x6d: {  	v34 =	vmin.f32 v2, v4;
	v2 =	vmax.f32 v2, v4;
	v4 =	vnsel vm7, $0x0, v6  }
0x6e: {  	v6 =	vmul.f32 v37, v0;
	v1 =	vmax.f32 v1, v34;
	v40 =	vand.u32 $0x7FFFFFFF, v5  }
0x6f: {  	v39 =	vmin.f32 v2, v4;
	v2 =	vmax.f32 v2, v4;
	vm8 =	vle.f32 v40, $3.402823470e+38  }
0x70: {  	v3 =	vadd.f32 v4, v3;
	v4 =	vnsel vm8, $0x0, v5;
	v5 =	vsub.f32 v36, v33  }
0x71: {  	v57 =	vsub.f32 v50, v49;
	v1 =	vmax.f32 v1, v39;
	v45 =	vand.u32 $0x7FFFFFFF, v6  }
0x72: {  	vm9 =	vle.f32 v45, $3.402823470e+38;
	v3 =	vadd.f32 v4, v3;
	v5 =	vmul.f32 v5, v0  }
0x73: {  	v53 =	vld [tilespmem:s14+$0x1E0];
	v44 =	vmin.f32 v2, v4;
	v2 =	vmax.f32 v2, v4;
	v4 =	vnsel vm9, $0x0, v6  }
0x74: {  	v56 =	vld [tilespmem:s14+$0x1F0];
	v6 =	vmul.f32 v46, v0;
	v1 =	vmax.f32 v1, v44;
	v48 =	vand.u32 $0x7FFFFFFF, v5  }
0x75: {  	v54 =	vld [tilespmem:s14+$0x170];
	v47 =	vmin.f32 v2, v4;
	v2 =	vmax.f32 v2, v4;
	vm10 =	vle.f32 v48, $3.402823470e+38  }
0x76: {  	v3 =	vadd.f32 v4, v3;
	v52 =	vand.u32 $0x7FFFFFFF, v6;
	v4 =	vnsel vm10, $0x0, v5;
	v5 =	vld [tilespmem:s14+$0x160]  }
0x77: {  	v1 =	vmax.f32 v1, v47;
	vm11 =	vle.f32 v52, $3.402823470e+38;
	v51 =	vmin.f32 v2, v4  }
0x78: {  	v3 =	vadd.f32 v4, v3;
	v2 =	vmax.f32 v2, v4;
	v4 =	vnsel vm11, $0x0, v6  }
0x79: {  	v6 =	vmul.f32 v57, v0;
	v1 =	vmax.f32 v1, v51;
	v58 =	vmin.f32 v2, v4  }
0x7a: {  	v2 =	vmax.f32 v2, v4;
	v1 =	vmax.f32 v1, v58;
	v3 =	vadd.f32 v4, v3  }
0x7b: {  	v4 =	vsub.f32 v56, v54;
	v60 =	vand.u32 $0x7FFFFFFF, v6;
	v5 =	vsub.f32 v53, v5  }
0x7c: {  	v59 =	vmin.f32 v2, v8;
	v2 =	vmax.f32 v2, v8;
	vm13 =	vle.f32 v60, $3.402823470e+38  }
0x7d: {  	v6 =	vnsel vm13, $0x0, v6;
	v4 =	vmul.f32 v4, v0;
	v5 =	vmul.f32 v5, v0  }
0x7e: {  	s13 =	sadd.s32 $0x4, s13;
	v1 =	vmax.f32 v1, v59;
	v3 =	vadd.f32 v8, v3;
	v62 =	vmin.f32 v2, v6  }
0x7f: {  	p0 =	slt.u32 s13, $0x68;
	v2 =	vmax.f32 v2, v6;
	v63 =	vand.u32 $0x7FFFFFFF, v4;
	v61 =	vand.u32 $0x7FFFFFFF, v5  }
.Ltmp0:
0x80: {  	v3 =	vadd.f32 v6, v3;
	vm15 =	vle.f32 v63, $3.402823470e+38;
	vm14 =	vle.f32 v61, $3.402823470e+38;
	(pc) =	sbr.rel @p0 .LBB2_2-.Ltmp0, $4  }
0x81: {  	v1 =	vmax.f32 v1, v62;
	v4 =	vnsel vm15, $0x0, v4;
	v5 =	vnsel vm14, $0x0, v5  }
0x82: {  	v3 =	vadd.f32 v5, v3;
	v6 =	vmin.f32 v2, v5;
	v2 =	vmax.f32 v2, v5  }
0x83: {  	v1 =	vmax.f32 v1, v6;
	v5 =	vmin.f32 v2, v4  }
0x84: {  	s14 =	sadd.s32 $0x400, s14;
	v2 =	vmax.f32 v2, v4;
	v3 =	vadd.f32 v4, v3;
	v1 =	vmax.f32 v1, v5  }
0x85: {  	[tilespmem:s10], [sflag:$0x1] =	stream.linear.gather [hbm4b:s3+s2], $0x100, $0x38;
	[tilespmem:$0x6E00] =	vst v63  }
0x86: {  	_ =	swait.ge [sflag:s8], $0x100  }
0x87: {  	v0 =	vadd.f32 $0.0e+00, v3;
	[sflag:s8] =	ssyncset.done $0x0  }
0x88: {  	[sflag:s8] =	ssyncadd.s32 $0xFFFFFF00  }
0x89: {  	v62 =	vmin.f32 v2, $-Inf;
	s12 =	sadd.s32 $0x1, s12;
	[tilespmem:$0x6D80] =	vst v0  }
0x8a: {  	v63 =	vmax.f32 v1, v62;
	p0 =	sne.s32 s12, s7;
	[tilespmem:$0x6D90] =	vst v2  }
.Ltmp1:
0x8b: {  	[tilespmem:$0x6DA0] =	vst v63;
	(pc) =	sbr.rel @p0 .LBB2_1-.Ltmp1, $4  }
0x8c: {  	[hbm4b:s6+s2] =	stream.linear.scatter [tilespmem:s11], [sflag:$0x1], $0x30, $0x38;
	[tilespmem:$0x6E00] =	vst v63  }
0x8d: {  	_ =	swait.ge [sflag:s8], $0x30  }
0x8e: {  	[sflag:s8] =	ssyncset.done $0x0  }
0x8f: {  	[sflag:s8] =	ssyncadd.s32 $0xFFFFFFD0  }
0x90: {  	_ =	sfence.sel $0x180000  }
0x91: {  	[bflag:$0x0] =	sbarrier.arrive $0xFFFF  }
0x92: {  	p0 =	sne.s32 s1, $0x0;
	_ =	strace $0x9000004A  }
0x93: {  	s0 =	sadd.s32 @!p0 $0x100000, s0;
	[bflag:$0x2] =	sbarrier.arrive $0xFFFF  }
0x94: {  	[sflag:s0] =	ssyncadd.tile.s32 @!p0 $0x1;
	_ =	shalt  }
.Lfunc_end2:
_tile_overlayer_lowered:
.L_overlay_start_2:
0x95: {  	(tag) =	ssettag $0x2  }
0x96: {  	s0 =	rddreg [dreg:$0x0];
	s2 =	stileid.u32  }
0x97: {  	s1 =	rddreg [dreg:$0x1];
	p0 =	sne.s32 s2, $0x0  }
0x98: {  	s3 =	rddreg [dreg:$0x2];
	[bflag:$0x3] =	sbarrier.arrive $0xFFFF;
	s2 =	simm.s32 @!p0 $0x1C01  }
0x99: {  	[timem:s3], [sflag:s2] =	dma.local @!p0 [hbm:s0], s1  }
0x9a: {  	s0 =	simm.s32 @!p0 $0x1  }
0x9b: {  	_ =	swait.ge @!p0 [sflag:s0], s1  }
0x9c: {  	s1 =	ssub.s32 @!p0 $0x0, s1;
	[sflag:s0] =	ssyncset.done @!p0 $0x0  }
0x9d: {  	[sflag:s0] =	ssyncadd.s32 @!p0 s1  }
0x9e: {  	[bflag:$0x3] =	sbarrier.arrive $0xFFFF  }
0x9f: {  	_ =	shalt  }

// kernel: kernel.8.cloned.1.call-start
scs
__scs_entry_jumppad:
0x0: {  	(pc) =	sbr.rel $0x88, $3  }
0x1: {  	(tag) =	ssettag $0x0;
	lr =	simm.s32 $0x1  }
0x2: {  	[smem:$0x3F9E] =	sst lr;
	_ =	strace $0xD0000000  }
0x3: {  	_ = 	snop  }
0x4: {  	_ = 	snop  }
0x5: {  	_ = 	snop  }
0x6: {  	_ = 	snop  }
0x7: {  	_ = 	snop  }
__scs_overlays_trampoline_lowered:
0x8: {  	[smem:$0x3FAD] =	sst s0  }
0x9: {  	[smem:$0x3FAE] =	sst s1  }
0xa: {  	[smem:$0x3FAF] =	sst s2  }
0xb: {  	[smem:$0x3FB0] =	sst s3  }
0xc: {  	[smem:$0x3FB1] =	sst s4  }
0xd: {  	[smem:$0x3FB2] =	sst s5  }
0xe: {  	[smem:$0x3FB3] =	sst s6  }
0xf: {  	[smem:$0x3FB4] =	sst s7  }
0x10: {  	[smem:$0x3FB5] =	sst s8  }
0x11: {  	[smem:$0x3FB6] =	sst s9;
	s0 =	simm.s32 @!p0 $0x0  }
0x12: {  	s1 =	sld [smem:$0x3F9C];
	s0 =	simm.s32 @p0 $0x1  }
0x13: {  	[smem:$0x3FB7] =	sst s0;
	s0 =	simm.s32 @!p1 $0x0  }
0x14: {  	s2 =	sld [smem:$0x3F9B];
	s0 =	simm.s32 @p1 $0x1  }
0x15: {  	[smem:$0x3FB8] =	sst s0;
	s0 =	simm.s32 @!p2 $0x0  }
0x16: {  	s3 =	sld [smem:$0x3FDB];
	s0 =	simm.s32 @p2 $0x1  }
0x17: {  	s4 =	simm.s32 $0x1BF5;
	[smem:$0x3FBA] =	sst s0  }
0x18: {  	s0 =	sld [smem:$0x3F9D];
	_ =	swait.ge [sflag:s4], $0x0  }
0x19: {  	s7 =	sld [smem:$0x3F9E]  }
0x1a: {  	s8 =	sadd.s32 $0xFFFFE003, lr  }
0x1b: {  	s9 =	sadd.s32 $0xFFFFFEF7, lr;
	s5 =	simm.s32 $0xFFFFFFFF;
	p2 =	slt.u32 s8, $0xFFFFF086  }
0x1c: {  	p1 =	slt.u32 s9, $0xF7A;
	s5 =	simm.s32 @!p2 $0x0  }
0x1d: {  	s5 =	simm.s32 @p1 $0x1;
	p0 =	seq.s32 s7, s2  }
0x1e: {  	s7 =	smul.u32 @!p0 $0xF7A, s2;
	p2 =	seq.s32 @!p0 s5, $0x0  }
0x1f: {  	s9 =	smul.u32 $0xF7A, s1;
	s8 =	simm.s32 @!p0 $0x1BF5;
	p2 =	por !p2, p0  }
0x20: {  	[sflag:s8] =	ssyncset.s32 @!p0 $0xFFFFF086;
	s6 =	sadd.s32 @!p0 s3, s7;
	s7 =	simm.s32 @!p0 $0x108  }
0x21: {  	s3 =	sadd.s32 s3, s9;
	s6 =	sadd.s32 @!p0 $0x88, s6;
	s7 =	simm.s32 @p2 $0x1082  }
0x22: {  	[simem:s7], [sflag:s8] =	dma.local @!p0 [hbm:s6], $0xF7A  }
0x23: {  	s9 =	sor.u32 $0xD0000000, s2;
	s6 =	simm.s32 $0x108;
	_ =	swait.ge @!p0 [sflag:s8], $0x0  }
0x24: {  	s3 =	sadd.s32 $0x88, s3;
	s6 =	simm.s32 @!p1 $0x1082;
	[sflag:s4] =	ssyncset.s32 $0xFFFFF086  }
0x25: {  	[simem:s6], [sflag:s4] =	dma.local [hbm:s3], $0xF7A  }
0x26: {  	[smem:$0x3F9E] =	sst s1;
	(tag) =	ssettag s2;
	_ =	strace s9  }
0x27: {  	s1 =	sld [smem:$0x3FAE]  }
0x28: {  	s2 =	sld [smem:$0x3FAF]  }
0x29: {  	s4 =	sld [smem:$0x3FB1]  }
0x2a: {  	p0 =	seq.s32 s5, $0x0;
	s5 =	sld [smem:$0x3FB2]  }
0x2b: {  	s6 =	sld [smem:$0x3FB3]  }
0x2c: {  	s7 =	sld [smem:$0x3FB4]  }
0x2d: {  	s3 =	simm.s32 $0x108;
	s8 =	sld [smem:$0x3FB5]  }
0x2e: {  	s3 =	simm.s32 @!p0 $0x1082;
	s9 =	sld [smem:$0x3FB6]  }
0x2f: {  	lr =	sadd.s32 s0, s3;
	s0 =	sld [smem:$0x3FAD]  }
0x30: {  	s3 =	sld [smem:$0x3FB0]  }
0x31: {  	[smem:$0x3FB9] =	sst s10  }
0x32: {  	s10 =	sld [smem:$0x3FB7];
	_ =	sdelay $0x3  }
0x33: {  	p0 =	seq.s32 s10, $0x1;
	s10 =	sld [smem:$0x3FB9];
	_ =	sdelay $0x3  }
0x34: {  	[smem:$0x3FB9] =	sst s10  }
0x35: {  	s10 =	sld [smem:$0x3FB8];
	_ =	sdelay $0x3  }
0x36: {  	p1 =	seq.s32 s10, $0x1;
	s10 =	sld [smem:$0x3FB9];
	_ =	sdelay $0x3  }
0x37: {  	[smem:$0x3FB9] =	sst s10  }
0x38: {  	s10 =	sld [smem:$0x3FBA]  }
0x39: {  	_ = 	snop;
	(pc) =	sbr.ind lr, $3  }
0x3a: {  	_ = 	snop  }
0x3b: {  	_ = 	snop  }
0x3c: {  	p2 =	seq.s32 s10, $0x1;
	s10 =	sld [smem:$0x3FB9]  }
0x3d: {  	_ =	shalt  }
0x3e: {  	_ =	shalt  }
0x3f: {  	_ =	shalt  }
0x40: {  	_ =	shalt  }
0x41: {  	_ =	shalt  }
0x42: {  	_ =	shalt  }
0x43: {  	_ =	shalt  }
0x44: {  	_ =	shalt  }
0x45: {  	_ =	shalt  }
0x46: {  	_ =	shalt  }
0x47: {  	_ =	shalt  }
0x48: {  	_ =	shalt  }
0x49: {  	_ =	shalt  }
0x4a: {  	_ =	shalt  }
0x4b: {  	_ =	shalt  }
0x4c: {  	_ =	shalt  }
0x4d: {  	_ =	shalt  }
0x4e: {  	_ =	shalt  }
0x4f: {  	_ =	shalt  }
0x50: {  	_ =	shalt  }
0x51: {  	_ =	shalt  }
0x52: {  	_ =	shalt  }
0x53: {  	_ =	shalt  }
0x54: {  	_ =	shalt  }
0x55: {  	_ =	shalt  }
0x56: {  	_ =	shalt  }
0x57: {  	_ =	shalt  }
0x58: {  	_ =	shalt  }
0x59: {  	_ =	shalt  }
0x5a: {  	_ =	shalt  }
0x5b: {  	_ =	shalt  }
0x5c: {  	_ =	shalt  }
0x5d: {  	_ =	shalt  }
0x5e: {  	_ =	shalt  }
0x5f: {  	_ =	shalt  }
0x60: {  	_ =	shalt  }
0x61: {  	_ =	shalt  }
0x62: {  	_ =	shalt  }
0x63: {  	_ =	shalt  }
0x64: {  	_ =	shalt  }
0x65: {  	_ =	shalt  }
0x66: {  	_ =	shalt  }
0x67: {  	_ =	shalt  }
0x68: {  	_ =	shalt  }
0x69: {  	_ =	shalt  }
0x6a: {  	_ =	shalt  }
0x6b: {  	_ =	shalt  }
0x6c: {  	_ =	shalt  }
0x6d: {  	_ =	shalt  }
0x6e: {  	_ =	shalt  }
0x6f: {  	_ =	shalt  }
0x70: {  	_ =	shalt  }
0x71: {  	_ =	shalt  }
0x72: {  	_ =	shalt  }
0x73: {  	_ =	shalt  }
0x74: {  	_ =	shalt  }
0x75: {  	_ =	shalt  }
0x76: {  	_ =	shalt  }
0x77: {  	_ =	shalt  }
0x78: {  	_ =	shalt  }
0x79: {  	_ =	shalt  }
0x7a: {  	_ =	shalt  }
0x7b: {  	_ =	shalt  }
0x7c: {  	_ =	shalt  }
0x7d: {  	_ =	shalt  }
0x7e: {  	_ =	shalt  }
0x7f: {  	_ =	shalt  }
0x80: {  	_ =	shalt  }
0x81: {  	_ =	shalt  }
0x82: {  	_ =	shalt  }
0x83: {  	_ =	shalt  }
0x84: {  	_ =	shalt  }
0x85: {  	_ =	shalt  }
0x86: {  	_ =	shalt  }
0x87: {  	_ =	shalt  }
.Lfunc_end0:
.L_simem_size_0:
called_computation.1_lowered:
.L_overlay_start_0:
0x88: {  	s2 =	sld [smem:$0x3FD9]  }
0x89: {  	s3 =	sld [smem:$0x3FFE];
	_ =	sdelay $0x1  }
0x8a: {  	s1 =	srdreg.scid  }
0x8b: {  	s0 =	sand.u32 $0x1, s1  }
0x8c: {  	s17 =	sshll.u32 s0, $0xA;
	s2 =	sadd.s32 s3, s2  }
0x8d: {  	s2 =	sadd.s32 s2, s17  }
0x8e: {  	[smem:$0x3FC5] =	sst s2  }
0x8f: {  	_ = 	snop  }
0x90: {  	s2 =	sld [smem:$0x3FD0];
	(tm) =	ssettm $0x1  }
0x91: {  	s18 =	sld [smem:$0x3FFB];
	_ =	sdelay $0x3  }
0x92: {  	_ =	strace s18  }
0x93: {  	s3 =	sld [smem:$0x3FFC];
	_ =	sdelay $0x3  }
0x94: {  	_ =	strace s3  }
0x95: {  	s3 =	sld [smem:$0x3FFD];
	_ =	sdelay $0x3  }
0x96: {  	_ =	strace s3  }
0x97: {  	_ =	strace $0x8FFFFFFF  }
0x98: {  	s19 =	sld [smem:$0x3FDB];
	_ =	sdelay $0x1  }
0x99: {  	s4 =	simm.s32 $_scs_section_size  }
0x9a: {  	s5 =	simm.s32 $_size__tile_overlayer_lowered;
	s6 =	simm.s32 $_tile_overlayer_lowered  }
0x9b: {  	s22 =	simm.s32 $0x1BFF;
	s21 =	sshll.u32 s6, $0x1;
	s3 =	sadd.s32 s4, s19  }
0x9c: {  	s7 =	simm.s32 $0x0;
	s20 =	sshll.u32 s5, $0x1;
	s5 =	sadd.s32 s21, s3  }
0x9d: {  	[timem:s7], [sflag:s22] =	dma.local [hbm:s5], s20  }
0x9e: {  	_ =	swait.ge [sflag:s22], s20  }
0x9f: {  	s4 =	ssub.s32 $0x0, s20;
	[sflag:s22] =	ssyncset.done $0x0  }
0xa0: {  	[sflag:s22] =	ssyncadd.s32 s4;
	_ =	sdelay $0x1  }
0xa1: {  	s23 =	simm.s32 $0x1B8B  }
0xa2: {  	_ =	swait.ge [sflag:s23], $0x1  }
0xa3: {  	[sflag:s23] =	ssyncset.done $0x0  }
0xa4: {  	s25 =	simm.s32 $0x1B8E;
	s24 =	sld [smem:$0x3FFE];
	[sflag:s23] =	ssyncadd.s32 $0xFFFFFFFF  }
0xa5: {  	s26 =	simm.s32 $execute0_lowered;
	[smem:$0x3FD2] =	sst s25  }
0xa6: {  	s5 =	sshll.u32 s26, $0x1;
	_ =	strace $0x80000046;
	[dreg:$0x1] =	wrdreg $0xFFFFFFFF  }
0xa7: {  	s28 =	simm.s32 $_size_execute0_lowered;
	s3 =	sadd.s32 s3, s5;
	[dreg:$0x0] =	wrdreg $0x0  }
0xa8: {  	s5 =	sshll.u32 s28, $0x1;
	[dreg:$0x2] =	wrdreg s3  }
0xa9: {  	[dreg:$0x3] =	wrdreg s5  }
0xaa: {  	[dreg:$0x4] =	wrdreg $0xC0  }
0xab: {  	_ =	task [dreg:s7], $0x5FFFF  }
0xac: {  	[dreg:$0x1] =	wrdreg $0xFFFFFFFF  }
0xad: {  	[dreg:$0x0] =	wrdreg $0x60  }
0xae: {  	[dreg:$0x2] =	wrdreg s24  }
0xaf: {  	[dreg:$0x3] =	wrdreg s2  }
0xb0: {  	[dreg:$0x4] =	wrdreg $0xA  }
0xb1: {  	_ =	task.clear_ibuf [dreg:s7], $0x5FFFF;
	_ =	strace $0x90000046  }
0xb2: {  	s29 =	simm.s32 $0xA;
	_ =	strace $0x80000048  }
0xb3: {  	_ =	swait.ge [sflag:s29], $0x1  }
0xb4: {  	[sflag:s29] =	ssyncadd.s32 $0xFFFFFFFF  }
0xb5: {  	_ =	strace $0x90000048  }
0xb6: {  	_ =	sfence  }
0xb7: {  	s30 =	sld [smem:$0x0];
	_ =	sdelay $0x2  }
0xb8: {  	s31 =	sshll.u32 s1, $0xD;
	s1 =	sshrl.u32 s1, $0x2  }
0xb9: {  	s3 =	sand.u32 $0x4000, s31;
	s1 =	sadd.s32 s1, s30  }
0xba: {  	s0 =	sor.u32 s3, s0;
	s1 =	sshll.u32 s1, $0x11  }
0xbb: {  	s0 =	sor.u32 s1, s0  }
0xbc: {  	s0 =	sadd.s32 $0x8F2B, s0  }
0xbd: {  	[sflag:s0] =	ssyncadd.remote.s32 $0x1  }
0xbe: {  	_ =	sfence.sel $0xFFFF  }
0xbf: {  	[dreg:$0x0] =	wrdreg $0xFFFFFFFF;
	(pc) =	sbr.abs _section_cstart, $3  }
0xc0: {  	[dreg:$0x1] =	wrdreg $0xFFFFFFFF  }
0xc1: {  	_ =	task.clear_ibuf [dreg:s7], $0x2FFFF;
	_ =	strace $0x9FFFFFFF  }
0xc2: {  	(tm) =	ssettm $0x7FFFFFFF  }
0xc3: {  	_ =	shalt  }
tec
execute0_lowered:
.L_overlay_start_1:
0x0: {  	(tag) =	ssettag $0x1  }
0x1: {  	s5 =	rddreg [dreg:$0x0]  }
0x2: {  	s1 =	rddreg [dreg:$0x1];
	s2 =	srdreg.scid  }
0x3: {  	s0 =	rddreg [dreg:$0x2];
	s3 =	simm.s32 $0x0;
	s6 =	sand.u32 $0x1, s2  }
0x4: {  	s13 =	simm.s32 $0x8A00;
	s2 =	stileid.u32;
	s4 =	sshll.u32 s6, $0x4  }
0x5: {  	s14 =	simm.s32 $0x0;
	[smem:$0x7FF] =	sst s3;
	s12 =	sor.u32 s2, s4  }
0x6: {  	s8 =	sadd.s32 $0x1800, s5;
	_ =	strace $0x80000047;
	s7 =	smul.u32 $0x88, s12  }
0x7: {  	s6 =	ssub.s32 $0x2, s6;
	s4 =	sadd.s32 $0x23A00, s5;
	s10 =	smax.u32 s12, $0x1C  }
0x8: {  	s30 =	sshrl.u32 s6, $0x1;
	s9 =	smul.u32 $0x6, s12;
	s7 =	sadd.s32 s7, s10  }
0x9: {  	p0 =	sgt.u32 s12, $0x1B;
	s11 =	ssub.s32 s6, s30;
	s7 =	sshll.u32 s7, $0x5  }
0xa: {  	v0 =	vmov s12;
	s12 =	simm.s32 $0x8900;
	s31 =	sadd.s32 $0xFFFFFC80, s7;
	s7 =	sadd.s32 $0xD80, s7  }
0xb: {  	s9 =	sadd.s32 s9, s5;
	s10 =	simm.s32 $0x8980;
	s7 =	simm.s32 @!p0 $0x0  }
0xc: {  	v1 =	vlaneseq.u32;
	s5 =	sadd.s32 s8, s31;
	s6 =	sadd.s32 s8, s7;
	s7 =	sadd.s32 $0x23C00, s9  }
0xd: {  	v1 =	vmul.u32 $0x2, v1;
	s8 =	smax.u32 s11, $0x1;
	s9 =	simm.s32 $0x1;
	s11 =	simm.s32 $0x8800  }
.LBB2_1:
0xe: {  	[tilespmem:s3], [sflag:$0x1] =	stream.linear.gather [hbm4b:s5+s3], $0x8800, $0x38;
	[tilespmem:$0x8A80] =	vst v63  }
0xf: {  	_ =	swait.ge [sflag:s9], $0x8800  }
0x10: {  	[sflag:s9] =	ssyncset.done $0x0  }
0x11: {  	[sflag:s9] =	ssyncadd.s32 $0xFFFF7800  }
0x12: {  	[tilespmem:s10], [sflag:$0x1] =	stream.linear.gather [hbm4b:s4+s3], $0x80, $0x38;
	[tilespmem:$0x8A80] =	vst v63  }
0x13: {  	_ =	swait.ge [sflag:s9], $0x80  }
0x14: {  	[sflag:s9] =	ssyncset.done $0x0  }
0x15: {  	[sflag:s9] =	ssyncadd.s32 $0xFFFFFF80  }
0x16: {  	v5 =	vimm.f32 $0.0e+00;
	v4 =	vimm.f32 $-Inf;
	s15 =	simm.s32 $0xFFFFFFFC;
	s16 =	simm.s32 $0x200;
	v3 =	vimm.f32 $-Inf;
	v2 =	vld [tilespmem:$0x8980]  }
.LBB2_2:
0x17: {  	v6 =	vld [tilespmem:s16+$0xFFFFFE00]  }
0x18: {  	v7 =	vld [tilespmem:s16+$0xFFFFFE80]  }
0x19: {  	v8 =	vld [tilespmem:s16+$0xFFFFFE10]  }
0x1a: {  	v9 =	vld [tilespmem:s16+$0xFFFFFE90]  }
0x1b: {  	v10 =	vld [tilespmem:s16+$0xFFFFFEA0]  }
0x1c: {  	v31 =	vld [tilespmem:s16+$0xFFFFFE30]  }
0x1d: {  	v12 =	vld [tilespmem:s16+$0xFFFFFEB0]  }
0x1e: {  	v35 =	vld [tilespmem:s16+$0xFFFFFE50]  }
0x1f: {  	v38 =	vld [tilespmem:s16+$0xFFFFFED0]  }
0x20: {  	v44 =	vld [tilespmem:s16+$0xFFFFFE70]  }
0x21: {  	v47 =	vld [tilespmem:s16+$0xFFFFFEF0]  }
0x22: {  	v53 =	vld [tilespmem:s16+$0xFFFFFF10]  }
0x23: {  	v56 =	vld [tilespmem:s16+$0xFFFFFF90]  }
0x24: {  	v62 =	vld [tilespmem:s16+$0xFFFFFF30]  }
0x25: {  	v17 =	vld [tilespmem:s16+$0xFFFFFFB0]  }
0x26: {  	v23 =	vld [tilespmem:s16+$0xFFFFFF50]  }
0x27: {  	v6 =	vsub.f32 v7, v6;
	v7 =	vld [tilespmem:s16+$0xFFFFFE20]  }
0x28: {  	v26 =	vld [tilespmem:s16+$0xFFFFFFD0];
	v8 =	vsub.f32 v9, v8  }
0x29: {  	v34 =	vsub.f32 v12, v31;
	v6 =	vmul.f32 v6, v2  }
0x2a: {  	v43 =	vsub.f32 v38, v35;
	v52 =	vsub.f32 v47, v44;
	v8 =	vmul.f32 v8, v2  }
0x2b: {  	v61 =	vsub.f32 v56, v53;
	v22 =	vsub.f32 v17, v62;
	v11 =	vand.u32 $0x7FFFFFFF, v6  }
0x2c: {  	v32 =	vld [tilespmem:s16+$0xFFFFFE40];
	v13 =	vand.u32 $0x7FFFFFFF, v8;
	vm0 =	vle.f32 v11, $3.402823470e+38;
	v7 =	vsub.f32 v10, v7  }
0x2d: {  	v14 =	vld [tilespmem:s16+$0xFFFFFEC0];
	v31 =	vsub.f32 v26, v23;
	vm9 =	vle.f32 v13, $3.402823470e+38;
	v6 =	vnsel vm0, $0x0, v6  }
0x2e: {  	v5 =	vadd.f32 v6, v5;
	v33 =	vmin.f32 v3, v6;
	v7 =	vmul.f32 v7, v2  }
0x2f: {  	v3 =	vmax.f32 v3, v6;
	v6 =	vnsel vm9, $0x0, v8;
	v8 =	vmul.f32 v34, v2  }
0x30: {  	v4 =	vmax.f32 v4, v33;
	v36 =	vmin.f32 v3, v6;
	v37 =	vand.u32 $0x7FFFFFFF, v7  }
0x31: {  	v39 =	vld [tilespmem:s16+$0xFFFFFE60];
	v3 =	vmax.f32 v3, v6;
	v5 =	vadd.f32 v6, v5;
	vm10 =	vle.f32 v37, $3.402823470e+38  }
0x32: {  	v42 =	vld [tilespmem:s16+$0xFFFFFEE0];
	v41 =	vand.u32 $0x7FFFFFFF, v8;
	v6 =	vnsel vm10, $0x0, v7;
	v7 =	vsub.f32 v14, v32  }
0x33: {  	v35 =	vld [tilespmem:s16+$0xFFFFFFF0];
	v4 =	vmax.f32 v4, v36;
	vm11 =	vle.f32 v41, $3.402823470e+38;
	v5 =	vadd.f32 v6, v5  }
0x34: {  	v32 =	vld [tilespmem:s16+$0xFFFFFF70];
	v40 =	vmin.f32 v3, v6;
	v3 =	vmax.f32 v3, v6;
	v7 =	vmul.f32 v7, v2  }
0x35: {  	v6 =	vnsel vm11, $0x0, v8;
	v8 =	vmul.f32 v43, v2;
	v4 =	vmax.f32 v4, v40  }
0x36: {  	v48 =	vld [tilespmem:s16+$0xFFFFFF00];
	v45 =	vmin.f32 v3, v6;
	v3 =	vmax.f32 v3, v6;
	v46 =	vand.u32 $0x7FFFFFFF, v7  }
0x37: {  	v44 =	vld [tilespmem:s16+$0x90];
	v5 =	vadd.f32 v6, v5;
	v4 =	vmax.f32 v4, v45;
	vm12 =	vle.f32 v46, $3.402823470e+38  }
0x38: {  	v41 =	vld [tilespmem:s16+$0x10];
	v50 =	vand.u32 $0x7FFFFFFF, v8;
	v6 =	vnsel vm12, $0x0, v7;
	v7 =	vsub.f32 v42, v39  }
0x39: {  	v51 =	vld [tilespmem:s16+$0xFFFFFF80];
	vm13 =	vle.f32 v50, $3.402823470e+38;
	v40 =	vsub.f32 v35, v32;
	v5 =	vadd.f32 v6, v5  }
0x3a: {  	v49 =	vmin.f32 v3, v6;
	v3 =	vmax.f32 v3, v6;
	v7 =	vmul.f32 v7, v2  }
0x3b: {  	v6 =	vnsel vm13, $0x0, v8;
	v8 =	vmul.f32 v52, v2;
	v4 =	vmax.f32 v4, v49  }
0x3c: {  	v57 =	vld [tilespmem:s16+$0xFFFFFF20];
	v54 =	vmin.f32 v3, v6;
	v3 =	vmax.f32 v3, v6;
	v55 =	vand.u32 $0x7FFFFFFF, v7  }
0x3d: {  	v53 =	vld [tilespmem:s16+$0xB0];
	v49 =	vsub.f32 v44, v41;
	v5 =	vadd.f32 v6, v5;
	vm14 =	vle.f32 v55, $3.402823470e+38  }
0x3e: {  	v50 =	vld [tilespmem:s16+$0x30];
	v59 =	vand.u32 $0x7FFFFFFF, v8;
	v6 =	vnsel vm14, $0x0, v7;
	v7 =	vsub.f32 v51, v48  }
0x3f: {  	v60 =	vld [tilespmem:s16+$0xFFFFFFA0];
	v4 =	vmax.f32 v4, v54;
	vm15 =	vle.f32 v59, $3.402823470e+38;
	v5 =	vadd.f32 v6, v5  }
0x40: {  	v58 =	vmin.f32 v3, v6;
	v3 =	vmax.f32 v3, v6;
	v7 =	vmul.f32 v7, v2  }
0x41: {  	v6 =	vnsel vm15, $0x0, v8;
	v8 =	vmul.f32 v61, v2;
	v4 =	vmax.f32 v4, v58  }
0x42: {  	v18 =	vld [tilespmem:s16+$0xFFFFFF40];
	v63 =	vmin.f32 v3, v6;
	v3 =	vmax.f32 v3, v6;
	v16 =	vand.u32 $0x7FFFFFFF, v7  }
0x43: {  	v62 =	vld [tilespmem:s16+$0xD0];
	v58 =	vsub.f32 v53, v50;
	v5 =	vadd.f32 v6, v5;
	vm4 =	vle.f32 v16, $3.402823470e+38  }
0x44: {  	v59 =	vld [tilespmem:s16+$0x50];
	v20 =	vand.u32 $0x7FFFFFFF, v8;
	v6 =	vnsel vm4, $0x0, v7;
	v7 =	vsub.f32 v60, v57  }
0x45: {  	v21 =	vld [tilespmem:s16+$0xFFFFFFC0];
	v4 =	vmax.f32 v4, v63;
	vm5 =	vle.f32 v20, $3.402823470e+38;
	v5 =	vadd.f32 v6, v5  }
0x46: {  	v19 =	vmin.f32 v3, v6;
	v3 =	vmax.f32 v3, v6;
	v7 =	vmul.f32 v7, v2  }
0x47: {  	v6 =	vnsel vm5, $0x0, v8;
	v8 =	vmul.f32 v22, v2;
	v4 =	vmax.f32 v4, v19  }
0x48: {  	v27 =	vld [tilespmem:s16+$0xFFFFFF60];
	v24 =	vmin.f32 v3, v6;
	v3 =	vmax.f32 v3, v6;
	v25 =	vand.u32 $0x7FFFFFFF, v7  }
0x49: {  	v23 =	vld [tilespmem:s16+$0xF0];
	v19 =	vsub.f32 v62, v59;
	v5 =	vadd.f32 v6, v5;
	vm6 =	vle.f32 v25, $3.402823470e+38  }
0x4a: {  	v20 =	vld [tilespmem:s16+$0x70];
	v29 =	vand.u32 $0x7FFFFFFF, v8;
	v6 =	vnsel vm6, $0x0, v7;
	v7 =	vsub.f32 v21, v18  }
0x4b: {  	v30 =	vld [tilespmem:s16+$0xFFFFFFE0];
	v4 =	vmax.f32 v4, v24;
	vm7 =	vle.f32 v29, $3.402823470e+38;
	v5 =	vadd.f32 v6, v5  }
0x4c: {  	v28 =	vmin.f32 v3, v6;
	v3 =	vmax.f32 v3, v6;
	v7 =	vmul.f32 v7, v2  }
0x4d: {  	v6 =	vnsel vm7, $0x0, v8;
	v8 =	vmul.f32 v31, v2;
	v4 =	vmax.f32 v4, v28  }
0x4e: {  	v33 =	vmin.f32 v3, v6;
	v3 =	vmax.f32 v3, v6;
	v34 =	vand.u32 $0x7FFFFFFF, v7  }
0x4f: {  	v36 =	vld [tilespmem:s16+$0x0];
	v28 =	vsub.f32 v23, v20;
	v5 =	vadd.f32 v6, v5;
	vm8 =	vle.f32 v34, $3.402823470e+38  }
0x50: {  	v32 =	vld [tilespmem:s16+$0x190];
	v38 =	vand.u32 $0x7FFFFFFF, v8;
	v6 =	vnsel vm8, $0x0, v7;
	v7 =	vsub.f32 v30, v27  }
0x51: {  	v39 =	vld [tilespmem:s16+$0x80];
	v4 =	vmax.f32 v4, v33;
	vm9 =	vle.f32 v38, $3.402823470e+38;
	v5 =	vadd.f32 v6, v5  }
0x52: {  	v29 =	vld [tilespmem:s16+$0x110];
	v37 =	vmin.f32 v3, v6;
	v3 =	vmax.f32 v3, v6;
	v7 =	vmul.f32 v7, v2  }
0x53: {  	v45 =	vld [tilespmem:s16+$0x20];
	v6 =	vnsel vm9, $0x0, v8;
	v8 =	vmul.f32 v40, v2;
	v4 =	vmax.f32 v4, v37  }
0x54: {  	v41 =	vld [tilespmem:s16+$0x1B0];
	v42 =	vmin.f32 v3, v6;
	v3 =	vmax.f32 v3, v6;
	v43 =	vand.u32 $0x7FFFFFFF, v7  }
0x55: {  	v48 =	vld [tilespmem:s16+$0xA0];
	v5 =	vadd.f32 v6, v5;
	v4 =	vmax.f32 v4, v42;
	vm10 =	vle.f32 v43, $3.402823470e+38  }
0x56: {  	v47 =	vand.u32 $0x7FFFFFFF, v8;
	v42 =	vld [tilespmem:s16+$0x140];
	v6 =	vnsel vm10, $0x0, v7;
	v7 =	vsub.f32 v39, v36  }
0x57: {  	v37 =	vsub.f32 v32, v29;
	vm11 =	vle.f32 v47, $3.402823470e+38;
	v43 =	vld [tilespmem:s16+$0x1C0];
	v5 =	vadd.f32 v6, v5  }
0x58: {  	v38 =	vld [tilespmem:s16+$0x130];
	v46 =	vmin.f32 v3, v6;
	v3 =	vmax.f32 v3, v6;
	v7 =	vmul.f32 v7, v2  }
0x59: {  	v6 =	vnsel vm11, $0x0, v8;
	v8 =	vmul.f32 v49, v2;
	v4 =	vmax.f32 v4, v46  }
0x5a: {  	v51 =	vmin.f32 v3, v6;
	v3 =	vmax.f32 v3, v6;
	v52 =	vand.u32 $0x7FFFFFFF, v7  }
0x5b: {  	v5 =	vadd.f32 v6, v5;
	v56 =	vand.u32 $0x7FFFFFFF, v8;
	vm12 =	vle.f32 v52, $3.402823470e+38  }
0x5c: {  	v54 =	vld [tilespmem:s16+$0x40];
	v10 =	vsub.f32 v43, v42;
	v6 =	vnsel vm12, $0x0, v7;
	v7 =	vsub.f32 v48, v45  }
0x5d: {  	v57 =	vld [tilespmem:s16+$0xC0];
	v46 =	vsub.f32 v41, v38;
	v4 =	vmax.f32 v4, v51;
	vm13 =	vle.f32 v56, $3.402823470e+38  }
0x5e: {  	v10 =	vmul.f32 v10, v2;
	v5 =	vadd.f32 v6, v5;
	v7 =	vmul.f32 v7, v2  }
0x5f: {  	v55 =	vmin.f32 v3, v6;
	v3 =	vmax.f32 v3, v6;
	v6 =	vnsel vm13, $0x0, v8  }
0x60: {  	v8 =	vmul.f32 v58, v2;
	v4 =	vmax.f32 v4, v55;
	v61 =	vand.u32 $0x7FFFFFFF, v7  }
0x61: {  	v60 =	vmin.f32 v3, v6;
	v3 =	vmax.f32 v3, v6;
	vm14 =	vle.f32 v61, $3.402823470e+38  }
0x62: {  	v63 =	vld [tilespmem:s16+$0x60];
	v5 =	vadd.f32 v6, v5;
	v6 =	vnsel vm14, $0x0, v7;
	v7 =	vsub.f32 v57, v54  }
0x63: {  	v18 =	vld [tilespmem:s16+$0xE0];
	v55 =	vand.u32 $0x7FFFFFFF, v10;
	v4 =	vmax.f32 v4, v60;
	v17 =	vand.u32 $0x7FFFFFFF, v8  }
0x64: {  	vm15 =	vle.f32 v17, $3.402823470e+38;
	v5 =	vadd.f32 v6, v5;
	v7 =	vmul.f32 v7, v2  }
0x65: {  	v16 =	vmin.f32 v3, v6;
	v3 =	vmax.f32 v3, v6;
	v6 =	vnsel vm15, $0x0, v8  }
0x66: {  	v8 =	vmul.f32 v19, v2;
	v4 =	vmax.f32 v4, v16;
	v22 =	vand.u32 $0x7FFFFFFF, v7  }
0x67: {  	v21 =	vmin.f32 v3, v6;
	v3 =	vmax.f32 v3, v6;
	vm4 =	vle.f32 v22, $3.402823470e+38  }
0x68: {  	v24 =	vld [tilespmem:s16+$0x100];
	v5 =	vadd.f32 v6, v5;
	v6 =	vnsel vm4, $0x0, v7;
	v7 =	vsub.f32 v18, v63  }
0x69: {  	v27 =	vld [tilespmem:s16+$0x180];
	vm12 =	vle.f32 v55, $3.402823470e+38;
	v4 =	vmax.f32 v4, v21;
	v26 =	vand.u32 $0x7FFFFFFF, v8  }
0x6a: {  	vm5 =	vle.f32 v26, $3.402823470e+38;
	v5 =	vadd.f32 v6, v5;
	v7 =	vmul.f32 v7, v2  }
0x6b: {  	v25 =	vmin.f32 v3, v6;
	v3 =	vmax.f32 v3, v6;
	v6 =	vnsel vm5, $0x0, v8  }
0x6c: {  	v8 =	vmul.f32 v28, v2;
	v4 =	vmax.f32 v4, v25;
	v31 =	vand.u32 $0x7FFFFFFF, v7  }
0x6d: {  	v50 =	vld [tilespmem:s16+$0x1D0];
	v30 =	vmin.f32 v3, v6;
	v3 =	vmax.f32 v3, v6;
	vm6 =	vle.f32 v31, $3.402823470e+38  }
0x6e: {  	v33 =	vld [tilespmem:s16+$0x120];
	v5 =	vadd.f32 v6, v5;
	v6 =	vnsel vm6, $0x0, v7;
	v7 =	vsub.f32 v27, v24  }
0x6f: {  	v36 =	vld [tilespmem:s16+$0x1A0];
	v10 =	vnsel vm12, $0x0, v10;
	v4 =	vmax.f32 v4, v30;
	v35 =	vand.u32 $0x7FFFFFFF, v8  }
0x70: {  	v49 =	vld [tilespmem:s16+$0x150];
	vm7 =	vle.f32 v35, $3.402823470e+38;
	v5 =	vadd.f32 v6, v5;
	v7 =	vmul.f32 v7, v2  }
0x71: {  	v34 =	vmin.f32 v3, v6;
	v3 =	vmax.f32 v3, v6;
	v6 =	vnsel vm7, $0x0, v8  }
0x72: {  	v8 =	vmul.f32 v37, v2;
	v4 =	vmax.f32 v4, v34;
	v40 =	vand.u32 $0x7FFFFFFF, v7  }
0x73: {  	v39 =	vmin.f32 v3, v6;
	v3 =	vmax.f32 v3, v6;
	vm8 =	vle.f32 v40, $3.402823470e+38  }
0x74: {  	v5 =	vadd.f32 v6, v5;
	v6 =	vnsel vm8, $0x0, v7;
	v7 =	vsub.f32 v36, v33  }
0x75: {  	v57 =	vsub.f32 v50, v49;
	v4 =	vmax.f32 v4, v39;
	v45 =	vand.u32 $0x7FFFFFFF, v8  }
0x76: {  	vm9 =	vle.f32 v45, $3.402823470e+38;
	v5 =	vadd.f32 v6, v5;
	v7 =	vmul.f32 v7, v2  }
0x77: {  	v53 =	vld [tilespmem:s16+$0x1E0];
	v44 =	vmin.f32 v3, v6;
	v3 =	vmax.f32 v3, v6;
	v6 =	vnsel vm9, $0x0, v8  }
0x78: {  	v56 =	vld [tilespmem:s16+$0x1F0];
	v8 =	vmul.f32 v46, v2;
	v4 =	vmax.f32 v4, v44;
	v48 =	vand.u32 $0x7FFFFFFF, v7  }
0x79: {  	v54 =	vld [tilespmem:s16+$0x170];
	v47 =	vmin.f32 v3, v6;
	v3 =	vmax.f32 v3, v6;
	vm10 =	vle.f32 v48, $3.402823470e+38  }
0x7a: {  	v5 =	vadd.f32 v6, v5;
	v52 =	vand.u32 $0x7FFFFFFF, v8;
	v6 =	vnsel vm10, $0x0, v7;
	v7 =	vld [tilespmem:s16+$0x160]  }
0x7b: {  	v4 =	vmax.f32 v4, v47;
	vm11 =	vle.f32 v52, $3.402823470e+38;
	v51 =	vmin.f32 v3, v6  }
0x7c: {  	v5 =	vadd.f32 v6, v5;
	v3 =	vmax.f32 v3, v6;
	v6 =	vnsel vm11, $0x0, v8  }
0x7d: {  	v8 =	vmul.f32 v57, v2;
	v4 =	vmax.f32 v4, v51;
	v58 =	vmin.f32 v3, v6  }
0x7e: {  	v3 =	vmax.f32 v3, v6;
	v4 =	vmax.f32 v4, v58;
	v5 =	vadd.f32 v6, v5  }
0x7f: {  	v6 =	vsub.f32 v56, v54;
	v60 =	vand.u32 $0x7FFFFFFF, v8;
	v7 =	vsub.f32 v53, v7  }
0x80: {  	v59 =	vmin.f32 v3, v10;
	v3 =	vmax.f32 v3, v10;
	vm13 =	vle.f32 v60, $3.402823470e+38  }
0x81: {  	v8 =	vnsel vm13, $0x0, v8;
	v6 =	vmul.f32 v6, v2;
	v7 =	vmul.f32 v7, v2  }
0x82: {  	s15 =	sadd.s32 $0x4, s15;
	v4 =	vmax.f32 v4, v59;
	v5 =	vadd.f32 v10, v5;
	v62 =	vmin.f32 v3, v8  }
0x83: {  	p0 =	slt.u32 s15, $0x84;
	v3 =	vmax.f32 v3, v8;
	v63 =	vand.u32 $0x7FFFFFFF, v6;
	v61 =	vand.u32 $0x7FFFFFFF, v7  }
.Ltmp0:
0x84: {  	v5 =	vadd.f32 v8, v5;
	vm15 =	vle.f32 v63, $3.402823470e+38;
	vm14 =	vle.f32 v61, $3.402823470e+38;
	(pc) =	sbr.rel @p0 .LBB2_2-.Ltmp0, $4  }
0x85: {  	v4 =	vmax.f32 v4, v62;
	v6 =	vnsel vm15, $0x0, v6;
	v7 =	vnsel vm14, $0x0, v7  }
0x86: {  	v5 =	vadd.f32 v7, v5;
	v8 =	vmin.f32 v3, v7;
	v3 =	vmax.f32 v3, v7  }
0x87: {  	v4 =	vmax.f32 v4, v8;
	v7 =	vmin.f32 v3, v6  }
0x88: {  	s16 =	sadd.s32 $0x400, s16;
	v3 =	vmax.f32 v3, v6;
	v5 =	vadd.f32 v6, v5;
	v4 =	vmax.f32 v4, v7  }
0x89: {  	[tilespmem:s11], [sflag:$0x1] =	stream.linear.gather [hbm4b:s6+s3], $0x100, $0x38;
	[tilespmem:$0x8A80] =	vst v63  }
0x8a: {  	_ =	swait.ge [sflag:s9], $0x100  }
0x8b: {  	[sflag:s9] =	ssyncset.done $0x0  }
0x8c: {  	[sflag:s9] =	ssyncadd.s32 $0xFFFFFF00  }
0x8d: {  	v6 =	vld [tilespmem:$0x8800]  }
0x8e: {  	v7 =	vld [tilespmem:$0x8880]  }
0x8f: {  	v8 =	vld [tilespmem:$0x8810]  }
0x90: {  	v9 =	vld [tilespmem:$0x8890]  }
0x91: {  	v51 =	vld [tilespmem:$0x8820]  }
0x92: {  	v10 =	vld [tilespmem:$0x88A0]  }
0x93: {  	v52 =	vld [tilespmem:$0x8830]  }
0x94: {  	v53 =	vld [tilespmem:$0x88B0]  }
0x95: {  	v55 =	vld [tilespmem:$0x8840]  }
0x96: {  	v57 =	vld [tilespmem:$0x88C0]  }
0x97: {  	v60 =	vld [tilespmem:$0x8850]  }
0x98: {  	v63 =	vld [tilespmem:$0x88D0]  }
0x99: {  	v19 =	vld [tilespmem:$0x8860]  }
0x9a: {  	v21 =	vld [tilespmem:$0x88E0]  }
0x9b: {  	v37 =	vor.u32 $0x40, v1;
	v24 =	vld [tilespmem:$0x8870]  }
0x9c: {  	v15 =	vor.u32 $0x41, v1;
	v25 =	vld [tilespmem:$0x88F0];
	[tilespmem:s12], [sflag:$0x1] =	stream.linear.gather [hbm4b:s1+s3], $0x80, $0x38  }
0x9d: {  	_ =	swait.ge [sflag:s9], $0x80  }
0x9e: {  	vm0 =	vgt.u32 v0, $0x1B;
	v28 =	vor.u32 $0x1, v1;
	[sflag:s9] =	ssyncset.done $0x0  }
0x9f: {  	v33 =	vor.u32 $0x20, v1;
	v35 =	vor.u32 $0x21, v1;
	[sflag:s9] =	ssyncadd.s32 $0xFFFFFF80;
	v6 =	vsub.f32 v7, v6  }
0xa0: {  	v39 =	vor.u32 $0x60, v1;
	v43 =	vld.idx.msk [tilespmem:v37+s12+$0x0], $0xffff;
	v8 =	vsub.f32 v9, v8;
	v7 =	vsub.f32 v10, v51  }
0xa1: {  	v15 =	vld.idx.msk [tilespmem:v15+s12+$0x0], $0xffff;
	v9 =	vsub.f32 v53, v52;
	v10 =	vsub.f32 v57, v55;
	v6 =	vmul.f32 v6, v2  }
0xa2: {  	v41 =	vor.u32 $0x61, v1;
	v8 =	vmul.f32 v8, v2;
	v7 =	vmul.f32 v7, v2  }
0xa3: {  	vm12 =	veq.s32 v0, $0x0;
	v62 =	vmul.f32 v9, v2;
	v10 =	vmul.f32 v10, v2  }
0xa4: {  	v9 =	vsub.f32 v63, v60;
	v11 =	vand.u32 $0x7FFFFFFF, v6;
	v13 =	vand.u32 $0x7FFFFFFF, v8  }
0xa5: {  	v59 =	vand.u32 $0x7FFFFFFF, v7;
	v17 =	vand.u32 $0x7FFFFFFF, v62;
	v23 =	vand.u32 $0x7FFFFFFF, v10  }
0xa6: {  	v9 =	vmul.f32 v9, v2;
	v51 =	vsub.f32 v15, v43;
	vm1 =	vle.f32 v11, $3.402823470e+38  }
0xa7: {  	vm4 =	vle.f32 v13, $3.402823470e+38;
	vm5 =	vle.f32 v59, $3.402823470e+38;
	vm6 =	vle.f32 v17, $3.402823470e+38  }
0xa8: {  	vm7 =	vle.f32 v23, $3.402823470e+38;
	v6 =	vnsel vm1, $0x0, v6;
	v8 =	vnsel vm4, $0x0, v8  }
0xa9: {  	v16 =	vnsel vm5, $0x0, v7;
	v18 =	vnsel vm6, $0x0, v62;
	v26 =	vnsel vm7, $0x0, v10  }
0xaa: {  	v27 =	vand.u32 $0x7FFFFFFF, v9;
	v12 =	vnsel vm0, $0x0, v6;
	v6 =	vnsel vm0, $0xFF800000, v6  }
0xab: {  	v56 =	vnsel vm0, $0x0, v8;
	v58 =	vnsel vm0, $0xFF800000, v8;
	v7 =	vnsel vm0, $0x0, v16  }
0xac: {  	v8 =	vnsel vm0, $0x0, v18;
	v20 =	vnsel vm0, $0xFF800000, v18;
	v29 =	vnsel vm0, $0x0, v26  }
0xad: {  	v46 =	vld.idx.msk [tilespmem:v39+s12+$0x0], $0xffff;
	vm8 =	vle.f32 v27, $3.402823470e+38;
	v5 =	vadd.f32 v12, v5;
	v54 =	vmin.f32 v3, v6  }
0xae: {  	v10 =	vld.idx.msk [tilespmem:v41+s12+$0x0], $0xffff;
	v3 =	vmax.f32 v3, v6;
	v6 =	vnsel vm0, $0xFF800000, v16;
	v9 =	vnsel vm8, $0x0, v9  }
0xaf: {  	v40 =	vld.idx.msk [tilespmem:v33+s12+$0x0], $0xffff;
	v4 =	vmax.f32 v4, v54;
	v61 =	vmin.f32 v3, v58;
	v3 =	vmax.f32 v3, v58  }
0xb0: {  	v12 =	vld.idx.msk [tilespmem:v35+s12+$0x0], $0xffff;
	v31 =	vnsel vm0, $0x0, v9;
	v9 =	vnsel vm0, $0xFF800000, v9;
	v5 =	vadd.f32 v56, v5  }
0xb1: {  	v32 =	vld.idx.msk [tilespmem:v1+s12+$0x0], $0xffff;
	v4 =	vmax.f32 v4, v61;
	v14 =	vmin.f32 v3, v6;
	v3 =	vmax.f32 v3, v6  }
0xb2: {  	v34 =	vld.idx.msk [tilespmem:v28+s12+$0x0], $0xffff;
	v6 =	vsub.f32 v25, v24;
	v4 =	vmax.f32 v4, v14;
	v22 =	vmin.f32 v3, v20  }
0xb3: {  	v3 =	vmax.f32 v3, v20;
	v10 =	vsub.f32 v10, v46;
	v5 =	vadd.f32 v7, v5  }
0xb4: {  	v4 =	vmax.f32 v4, v22;
	v7 =	vsub.f32 v21, v19;
	v6 =	vmul.f32 v6, v2  }
0xb5: {  	v48 =	vsub.f32 v12, v40;
	v5 =	vadd.f32 v8, v5;
	v8 =	vnsel vm0, $0xFF800000, v26  }
0xb6: {  	v7 =	vmul.f32 v7, v2;
	v42 =	vand.u32 $0x7FFFFFFF, v6;
	v30 =	vmin.f32 v3, v8  }
0xb7: {  	v3 =	vmax.f32 v3, v8;
	v8 =	vsub.f32 v34, v32;
	vm10 =	vle.f32 v42, $3.402823470e+38  }
0xb8: {  	v5 =	vadd.f32 v29, v5;
	v4 =	vmax.f32 v4, v30;
	v36 =	vmin.f32 v3, v9  }
0xb9: {  	v38 =	vand.u32 $0x7FFFFFFF, v7;
	v3 =	vmax.f32 v3, v9;
	v6 =	vnsel vm10, $0x0, v6  }
0xba: {  	v4 =	vmax.f32 v4, v36;
	vm9 =	vle.f32 v38, $3.402823470e+38;
	v8 =	vmul.f32 v8, v2  }
0xbb: {  	v45 =	vnsel vm0, $0x0, v6;
	v5 =	vadd.f32 v31, v5;
	v7 =	vnsel vm9, $0x0, v7  }
0xbc: {  	v6 =	vnsel vm0, $0xFF800000, v6;
	v16 =	vnsel vm0, $0x0, v7;
	v7 =	vnsel vm0, $0xFF800000, v7  }
0xbd: {  	v47 =	vand.u32 $0x7FFFFFFF, v8;
	v5 =	vadd.f32 v16, v5;
	v44 =	vmin.f32 v3, v7  }
0xbe: {  	v3 =	vmax.f32 v3, v7;
	vm11 =	vle.f32 v47, $3.402823470e+38;
	v7 =	vmul.f32 v48, v2  }
0xbf: {  	v4 =	vmax.f32 v4, v44;
	v49 =	vmin.f32 v3, v6;
	v3 =	vmax.f32 v3, v6  }
0xc0: {  	v50 =	vnsel vm11, $0x0, v8;
	v8 =	vmul.f32 v51, v2;
	v2 =	vmul.f32 v10, v2  }
0xc1: {  	v5 =	vadd.f32 v45, v5;
	v52 =	vnsel vm12, $0xFF800000, v50;
	v4 =	vmax.f32 v4, v49  }
0xc2: {  	v6 =	vnsel vm12, $0x0, v50;
	v54 =	vand.u32 $0x7FFFFFFF, v7;
	v53 =	vmin.f32 v3, v52  }
0xc3: {  	vm13 =	vle.f32 v54, $3.402823470e+38;
	v56 =	vand.u32 $0x7FFFFFFF, v8;
	v3 =	vmax.f32 v3, v52  }
0xc4: {  	v59 =	vand.u32 $0x7FFFFFFF, v2;
	v5 =	vadd.f32 v6, v5;
	v4 =	vmax.f32 v4, v53  }
0xc5: {  	v55 =	vnsel vm13, $0x0, v7;
	vm14 =	vle.f32 v56, $3.402823470e+38;
	vm15 =	vle.f32 v59, $3.402823470e+38  }
0xc6: {  	v57 =	vnsel vm12, $0x0, v55;
	v58 =	vnsel vm14, $0x0, v8;
	v6 =	vnsel vm12, $0xFF800000, v55  }
0xc7: {  	v2 =	vnsel vm15, $0x0, v2;
	v5 =	vadd.f32 v57, v5;
	v60 =	vnsel vm12, $0x0, v58  }
0xc8: {  	v61 =	vmin.f32 v3, v6;
	v62 =	vnsel vm12, $0x0, v2;
	v3 =	vmax.f32 v3, v6  }
0xc9: {  	v63 =	vnsel vm12, $0xFF800000, v58;
	v2 =	vnsel vm12, $0xFF800000, v2;
	v4 =	vmax.f32 v4, v61  }
0xca: {  	v7 =	vmin.f32 v3, v63;
	v3 =	vmax.f32 v3, v63;
	v5 =	vadd.f32 v60, v5  }
0xcb: {  	v4 =	vmax.f32 v4, v7;
	v6 =	vmin.f32 v3, v2;
	v2 =	vmax.f32 v3, v2  }
0xcc: {  	s14 =	sadd.s32 $0x1, s14;
	v3 =	vmax.f32 v4, v6;
	[tilespmem:$0x8A10] =	vst v2;
	v5 =	vadd.f32 v62, v5  }
0xcd: {  	p0 =	sne.s32 s14, s8;
	[tilespmem:$0x8A20] =	vst v3  }
.Ltmp1:
0xce: {  	[tilespmem:$0x8A00] =	vst v5;
	(pc) =	sbr.rel @p0 .LBB2_1-.Ltmp1, $4  }
0xcf: {  	[hbm4b:s7+s3] =	stream.linear.scatter [tilespmem:s13], [sflag:$0x1], $0x30, $0x38;
	[tilespmem:$0x8A80] =	vst v63  }
0xd0: {  	_ =	swait.ge [sflag:s9], $0x30  }
0xd1: {  	[sflag:s9] =	ssyncset.done $0x0  }
0xd2: {  	[sflag:s9] =	ssyncadd.s32 $0xFFFFFFD0  }
0xd3: {  	_ =	sfence.sel $0x180000  }
0xd4: {  	[bflag:$0x0] =	sbarrier.arrive $0xFFFF  }
0xd5: {  	p0 =	sne.s32 s2, $0x0;
	_ =	strace $0x90000047  }
0xd6: {  	s0 =	sadd.s32 @!p0 $0x100000, s0;
	[bflag:$0x2] =	sbarrier.arrive $0xFFFF  }
0xd7: {  	[sflag:s0] =	ssyncadd.tile.s32 @!p0 $0x1;
	_ =	shalt  }
.Lfunc_end2:
_tile_overlayer_lowered:
.L_overlay_start_2:
0xd8: {  	(tag) =	ssettag $0x2  }
0xd9: {  	s0 =	rddreg [dreg:$0x0];
	s2 =	stileid.u32  }
0xda: {  	s1 =	rddreg [dreg:$0x1];
	p0 =	sne.s32 s2, $0x0  }
0xdb: {  	s3 =	rddreg [dreg:$0x2];
	[bflag:$0x3] =	sbarrier.arrive $0xFFFF;
	s2 =	simm.s32 @!p0 $0x1C01  }
0xdc: {  	[timem:s3], [sflag:s2] =	dma.local @!p0 [hbm:s0], s1  }
0xdd: {  	s0 =	simm.s32 @!p0 $0x1  }
0xde: {  	_ =	swait.ge @!p0 [sflag:s0], s1  }
0xdf: {  	s1 =	ssub.s32 @!p0 $0x0, s1;
	[sflag:s0] =	ssyncset.done @!p0 $0x0  }
0xe0: {  	[sflag:s0] =	ssyncadd.s32 @!p0 s1  }
0xe1: {  	[bflag:$0x3] =	sbarrier.arrive $0xFFFF  }
0xe2: {  	_ =	shalt  }

</sc_bundles>
